<compile_context>
chip_gen: v7x
topology: tpu7x:2x2x1
jax: 0.10.2.dev20260603
libtpu: 0.0.44.dev20260713+nightly
codegen_flags: <defaults>
</compile_context>

<pallas_src>
import functools

import jax
import jax.numpy as jnp
from jax import lax
from jax.experimental import pallas as pl
from jax.experimental.pallas import tpu as pltpu
from jax.experimental.pallas import tpu_sc as plsc

NUM_NODES = 50000
VOCAB_SIZE = 100000
EMBEDDING_DIM = 64
NNZ = 800000

NUM_SC = 2
NUM_TILES = 16
HALF = NUM_NODES // NUM_SC
ACC_ROWS = 25088
DUMMY = HALF
CHUNK = 64
CPT = 784
NCHUNKS = CPT * NUM_TILES
NNZ_PAD = NCHUNKS * CHUNK
STRIP = 8
NSTRIP = CPT // STRIP
RING = 6
ORING = 3
MROWS = 3 * STRIP
ZROWS = ACC_ROWS // NUM_TILES
WROWS = 1560

_mesh = plsc.VectorSubcoreMesh(core_axis_name="c", subcore_axis_name="s")


@functools.partial(
    pl.kernel,
    out_type=jax.ShapeDtypeStruct((NUM_NODES, EMBEDDING_DIM), jnp.float32),
    mesh=_mesh,
    scratch_types=[
        pltpu.VMEM_SHARED((ACC_ROWS, EMBEDDING_DIM), jnp.float32),
        pltpu.VMEM((MROWS, CHUNK), jnp.int32),
        pltpu.VMEM((MROWS, CHUNK), jnp.int32),
        pltpu.VMEM((MROWS, CHUNK), jnp.float32),
        pltpu.VMEM((RING, CHUNK, EMBEDDING_DIM // 2), jnp.int32),
        pltpu.VMEM((ORING, CHUNK, EMBEDDING_DIM), jnp.float32),
        pltpu.SemaphoreType.DMA,
        pltpu.SemaphoreType.DMA,
        pltpu.SemaphoreType.DMA,
    ],
    compiler_params=pltpu.CompilerParams(use_tc_tiling_on_sc=False),
)
def _sc_aggregate(table, srcx, idxx, valx, zeros, out,
                  acc, src_b, idx_b, val_b, rows_b, out_b, msem, gsem, ssem):
    c = lax.axis_index("c")
    s = lax.axis_index("s")
    node_base = c * HALF

    pltpu.sync_copy(zeros, acc.at[pl.ds(s * ZROWS, ZROWS)])
    plsc.subcore_barrier()

    chunk0 = s * CPT

    def load_strip(st, ring_slot, mode):
        g0 = chunk0 + st * STRIP
        r0 = ring_slot * STRIP
        pairs = [
            (srcx.at[pl.ds(g0, STRIP)], src_b.at[pl.ds(r0, STRIP)]),
            (idxx.at[c, pl.ds(g0, STRIP)], idx_b.at[pl.ds(r0, STRIP)]),
            (valx.at[pl.ds(g0, STRIP)], val_b.at[pl.ds(r0, STRIP)]),
        ]
        for a, b in pairs:
            if mode == "sync":
                pltpu.sync_copy(a, b)
            elif mode == "async":
                pltpu.async_copy(a, b, msem)
            else:
                pltpu.make_async_copy(a, b, msem).wait()

    def fire_gather(t):
        mrow = t % MROWS
        pltpu.async_copy(table.at[src_b.at[mrow]], rows_b.at[t % RING], gsem)

    load_strip(0, 0, "sync")
    load_strip(1, 1, "sync")
    load_strip(2, 2, "async")
    for t in range(4):
        fire_gather(t)

    @pl.loop(0, CPT)
    def step(t):
        @pl.when(t >= 2)
        def _():
            pltpu.make_async_copy(zeros.at[pl.ds(0, CHUNK)],
                                  out_b.at[(t - 2) % ORING], ssem).wait()

        st = t // STRIP

        @pl.when((t > 0) & (t % STRIP == 0))
        def _():
            @pl.when(st + 1 <= NSTRIP - 1)
            def _():
                load_strip(st + 1, (st + 1) % 3, "wait")

            @pl.when(st + 2 <= NSTRIP - 1)
            def _():
                load_strip(st + 2, (st + 2) % 3, "async")

        @pl.when(t + 4 <= CPT - 1)
        def _():
            fire_gather(t + 4)

        b = t % RING
        o = t % ORING
        mrow = t % MROWS
        pltpu.make_async_copy(table.at[src_b.at[mrow]], rows_b.at[b],
                              gsem).wait()
        himask = jnp.int32(-65536)

        @pl.loop(0, CHUNK // 16)
        def scale(i):
            vv = val_b[mrow, pl.ds(i * 16, 16)]
            for k in range(16):
                e = i * 16 + k
                sv = vv[k]
                for q in range(2):
                    wv = rows_b[b, e, pl.ds(q * 16, 16)]
                    lo = lax.bitcast_convert_type(wv << 16, jnp.float32)
                    hi = lax.bitcast_convert_type(wv & himask, jnp.float32)
                    out_b[o, e, pl.ds(q * 32, 16)] = lo * sv
                    out_b[o, e, pl.ds(q * 32 + 16, 16)] = hi * sv

        pltpu.async_copy(out_b.at[o], acc.at[idx_b.at[mrow]], ssem, add=True)

    for tt in range(CPT - 2, CPT):
        pltpu.make_async_copy(zeros.at[pl.ds(0, CHUNK)],
                              out_b.at[tt % ORING], ssem).wait()
    plsc.subcore_barrier()

    pltpu.sync_copy(acc.at[pl.ds(s * WROWS, WROWS)],
                    out.at[pl.ds(node_base + s * WROWS, WROWS)])
    rem = HALF - NUM_TILES * WROWS

    @pl.when(s == 0)
    def _():
        pltpu.sync_copy(acc.at[pl.ds(NUM_TILES * WROWS, rem)],
                        out.at[pl.ds(node_base + NUM_TILES * WROWS, rem)])


def kernel(token_embeddings, operator_values, operator_indices):
    pad = NNZ_PAD - NNZ
    dst = jnp.concatenate(
        [operator_indices[:, 0], jnp.full((pad,), NUM_NODES, jnp.int32)])
    src = jnp.concatenate(
        [operator_indices[:, 1], jnp.zeros((pad,), jnp.int32)])
    vals = jnp.concatenate(
        [operator_values, jnp.zeros((pad,), jnp.float32)])
    halves = jnp.arange(NUM_SC, dtype=jnp.int32)[:, None] * HALF
    local = dst[None, :] - halves
    idxx = jnp.where((local >= 0) & (local < HALF), local, DUMMY)
    zeros = jnp.zeros((ZROWS, EMBEDDING_DIM), jnp.float32)
    tb = token_embeddings.astype(jnp.bfloat16)
    packed = jnp.concatenate(
        [jnp.stack([tb[:, 0:16], tb[:, 16:32]], axis=-1),
         jnp.stack([tb[:, 32:48], tb[:, 48:64]], axis=-1)], axis=1)
    ti32 = lax.bitcast_convert_type(packed, jnp.int32)
    return _sc_aggregate(
        ti32,
        src.reshape(NCHUNKS, CHUNK),
        idxx.reshape(NUM_SC, NCHUNKS, CHUNK),
        vals.reshape(NCHUNKS, CHUNK),
        zeros,
    )

# --- scband reference (transcript-rebuilt; emitter-appended) ---
"""Pipeline reference for scband-token-operator-node-embedding-4698694222001 (READ-ONLY COPY).

The authoritative reference and input builder live on the scoring server;
editing this copy changes nothing except your own understanding.
"""

import jax, jax.numpy as jnp
import numpy as np

NUM_NODES = 50000
VOCAB_SIZE = 100000
EMBEDDING_DIM = 64
NNZ = 800000


def setup_inputs(seed: int = 0) -> dict:
    key = jax.random.key(seed)
    k1, k2, k3 = jax.random.split(key, 3)
    # Learned parameter: token embedding table, variance_scaling(1.0, 'fan_out')
    std = 1.0 / np.sqrt(EMBEDDING_DIM)
    token_embeddings = jax.random.normal(k1, (VOCAB_SIZE, EMBEDDING_DIM), dtype=jnp.float32) * std
    # Sparse token->node operator in COO form: column 0 = dst node index, column 1 = src token index
    operator_indices = jax.random.randint(k2, (NNZ, 2), 0, NUM_NODES, dtype=jnp.int32)
    operator_values = jax.random.normal(k3, (NNZ,), dtype=jnp.float32)
    return {
        "token_embeddings": token_embeddings,
        "operator_values": operator_values,
        "operator_indices": operator_indices,
    }


def reference(token_embeddings, operator_values, operator_indices):
    # operator.apply_add(token_embeddings, zeros((num_nodes, dim)), in_dims=(0,), out_dims=(0,))
    # == scatter-add of scaled gathered token rows into node rows (sparse matmul A @ E).
    src_tokens = operator_indices[:, 1]
    dst_nodes = operator_indices[:, 0]
    gathered = jnp.take(token_embeddings, src_tokens, axis=0) * operator_values[:, None]
    node_token_embeddings = jnp.zeros((NUM_NODES, EMBEDDING_DIM), dtype=token_embeddings.dtype).at[dst_nodes].add(gathered)
    # bottleneck_dim is None -> no projection
    return node_token_embeddings

if __name__ == "__main__":
    import jax
    _d = setup_inputs()
    print(jax.jit(kernel)(*tuple(_d.values())))

</pallas_src>

<mosaic_0001>
#map = affine_map<(d0, d1) -> (0, 0)>
#map1 = affine_map<(d0, d1) -> (0, 0, 0)>
module attributes {stable_mosaic.version = 14 : i64} {
  func.func @_sc_aggregate(%arg0: i32, %arg1: i32, %arg2: memref<100000x32xi32, #tpu.memory_space<hbm>>, %arg3: memref<12544x64xi32, #tpu.memory_space<hbm>>, %arg4: memref<2x12544x64xi32, #tpu.memory_space<hbm>>, %arg5: memref<12544x64xf32, #tpu.memory_space<hbm>>, %arg6: memref<1568x64xf32, #tpu.memory_space<hbm>>, %arg7: memref<50000x64xf32, #tpu.memory_space<hbm>>, %arg8: memref<25088x64xf32, #tpu.memory_space<vmem_shared>>, %arg9: memref<24x64xi32, #tpu.memory_space<vmem>>, %arg10: memref<24x64xi32, #tpu.memory_space<vmem>>, %arg11: memref<24x64xf32, #tpu.memory_space<vmem>>, %arg12: memref<6x64x32xi32, #tpu.memory_space<vmem>>, %arg13: memref<3x64x64xf32, #tpu.memory_space<vmem>>, %arg14: memref<!tpu.dma_semaphore, #tpu.memory_space<semaphore_mem>>, %arg15: memref<!tpu.dma_semaphore, #tpu.memory_space<semaphore_mem>>, %arg16: memref<!tpu.dma_semaphore, #tpu.memory_space<semaphore_mem>>) attributes {dimension_semantics = [#tpu.dimension_semantics<core_parallel>, #tpu.dimension_semantics<subcore_parallel>], iteration_bounds = array<i64: 2, 16>, scalar_prefetch = 0 : i64, scratch_operands = 9 : i64, tpu.core_type = #tpu.core_type<sc_vector_subcore>, window_params = [{transform_indices = #map}, {transform_indices = #map}, {transform_indices = #map1}, {transform_indices = #map}, {transform_indices = #map}, {transform_indices = #map}]} {
    %mul3A = arith.constant 25000 : i32
    %mul3A_0 = arith.muli %arg0, %mul3A : i32
    %mul3A_1 = arith.constant 1568 : i32
    %mul3A_2 = arith.muli %arg1, %mul3A_1 : i32
    "tpu.region"() ({
      %run_scoped3A = tpu.sem_alloc : memref<!tpu.dma_semaphore, #tpu.memory_space<semaphore_mem>>
      %dma_start3A_130 = arith.constant 0 : i32
      %dma_start3A_131 = tpu.memref_slice %arg8[%mul3A_2, %dma_start3A_130] : memref<25088x64xf32, #tpu.memory_space<vmem_shared>> -> memref<1568x64xf32, #tpu.memory_space<vmem_shared>>
      tpu.enqueue_dma source(%arg6 : memref<1568x64xf32, #tpu.memory_space<hbm>>) target(%dma_start3A_131 : memref<1568x64xf32, #tpu.memory_space<vmem_shared>>) target_semaphore(%run_scoped3A : memref<!tpu.dma_semaphore, #tpu.memory_space<semaphore_mem>>)
      %dma_wait3A_132 = arith.constant 0 : i32
      %dma_wait3A_133 = tpu.memref_slice %arg8[%mul3A_2, %dma_wait3A_132] : memref<25088x64xf32, #tpu.memory_space<vmem_shared>> -> memref<1568x64xf32, #tpu.memory_space<vmem_shared>>
      tpu.wait_dma2 semaphore(%run_scoped3A : memref<!tpu.dma_semaphore, #tpu.memory_space<semaphore_mem>>) src(%arg6 : memref<1568x64xf32, #tpu.memory_space<hbm>>) dst(%dma_wait3A_133 : memref<1568x64xf32, #tpu.memory_space<vmem_shared>>)
      tpu.yield
    }) : () -> ()
    %barrier3A = arith.constant 0 : index
    tpu.barrier barrier_id(%barrier3A)
    %mul3A_3 = arith.constant 784 : i32
    %mul3A_4 = arith.muli %arg1, %mul3A_3 : i32
    %add3A = arith.constant 0 : i32
    %add3A_5 = arith.addi %mul3A_4, %add3A : i32
    "tpu.region"() ({
      %run_scoped3A = tpu.sem_alloc : memref<!tpu.dma_semaphore, #tpu.memory_space<semaphore_mem>>
      %dma_start3A_130 = arith.constant 0 : i32
      %dma_start3A_131 = arith.constant 0 : i32
      %dma_start3A_132 = tpu.memref_slice %arg9[%dma_start3A_130, %dma_start3A_131] : memref<24x64xi32, #tpu.memory_space<vmem>> -> memref<8x64xi32, #tpu.memory_space<vmem>>
      %dma_start3A_133 = arith.constant 0 : i32
      %dma_start3A_134 = tpu.memref_slice %arg3[%add3A_5, %dma_start3A_133] : memref<12544x64xi32, #tpu.memory_space<hbm>> -> memref<8x64xi32, #tpu.memory_space<hbm>>
      %dma_start3A_135 = arith.constant 0 : i32
      %dma_start3A_136 = arith.constant 0 : i32
      %dma_start3A_137 = tpu.memref_slice %arg9[%dma_start3A_135, %dma_start3A_136] : memref<24x64xi32, #tpu.memory_space<vmem>> -> memref<8x64xi32, #tpu.memory_space<vmem>>
      %dma_start3A_138 = arith.constant 0 : i32
      %dma_start3A_139 = tpu.memref_slice %arg3[%add3A_5, %dma_start3A_138] : memref<12544x64xi32, #tpu.memory_space<hbm>> -> memref<8x64xi32, #tpu.memory_space<hbm>>
      tpu.enqueue_dma source(%dma_start3A_139 : memref<8x64xi32, #tpu.memory_space<hbm>>) target(%dma_start3A_137 : memref<8x64xi32, #tpu.memory_space<vmem>>) target_semaphore(%run_scoped3A : memref<!tpu.dma_semaphore, #tpu.memory_space<semaphore_mem>>)
      %dma_wait3A_140 = arith.constant 0 : i32
      %dma_wait3A_141 = arith.constant 0 : i32
      %dma_wait3A_142 = tpu.memref_slice %arg9[%dma_wait3A_140, %dma_wait3A_141] : memref<24x64xi32, #tpu.memory_space<vmem>> -> memref<8x64xi32, #tpu.memory_space<vmem>>
      %dma_wait3A_143 = arith.constant 0 : i32
      %dma_wait3A_144 = tpu.memref_slice %arg3[%add3A_5, %dma_wait3A_143] : memref<12544x64xi32, #tpu.memory_space<hbm>> -> memref<8x64xi32, #tpu.memory_space<hbm>>
      %dma_wait3A_145 = arith.constant 0 : i32
      %dma_wait3A_146 = arith.constant 0 : i32
      %dma_wait3A_147 = tpu.memref_slice %arg9[%dma_wait3A_145, %dma_wait3A_146] : memref<24x64xi32, #tpu.memory_space<vmem>> -> memref<8x64xi32, #tpu.memory_space<vmem>>
      %dma_wait3A_148 = arith.constant 0 : i32
      %dma_wait3A_149 = tpu.memref_slice %arg3[%add3A_5, %dma_wait3A_148] : memref<12544x64xi32, #tpu.memory_space<hbm>> -> memref<8x64xi32, #tpu.memory_space<hbm>>
      tpu.wait_dma2 semaphore(%run_scoped3A : memref<!tpu.dma_semaphore, #tpu.memory_space<semaphore_mem>>) src(%dma_wait3A_149 : memref<8x64xi32, #tpu.memory_space<hbm>>) dst(%dma_wait3A_147 : memref<8x64xi32, #tpu.memory_space<vmem>>)
      tpu.yield
    }) : () -> ()
    "tpu.region"() ({
      %run_scoped3A = tpu.sem_alloc : memref<!tpu.dma_semaphore, #tpu.memory_space<semaphore_mem>>
      %dma_start3A_130 = arith.constant 0 : i32
      %dma_start3A_131 = arith.constant 0 : i32
      %dma_start3A_132 = tpu.memref_slice %arg10[%dma_start3A_130, %dma_start3A_131] : memref<24x64xi32, #tpu.memory_space<vmem>> -> memref<8x64xi32, #tpu.memory_space<vmem>>
      %dma_start3A_133 = arith.constant 0 : i32
      %dma_start3A_134 = tpu.memref_slice %arg4[%arg0, %add3A_5, %dma_start3A_133] : memref<2x12544x64xi32, #tpu.memory_space<hbm>> -> memref<1x8x64xi32, #tpu.memory_space<hbm>>
      %dma_start3A_135 = tpu.memref_squeeze %dma_start3A_134 : memref<1x8x64xi32, #tpu.memory_space<hbm>> -> memref<8x64xi32, #tpu.memory_space<hbm>>
      %dma_start3A_136 = arith.constant 0 : i32
      %dma_start3A_137 = arith.constant 0 : i32
      %dma_start3A_138 = tpu.memref_slice %arg10[%dma_start3A_136, %dma_start3A_137] : memref<24x64xi32, #tpu.memory_space<vmem>> -> memref<8x64xi32, #tpu.memory_space<vmem>>
      %dma_start3A_139 = arith.constant 0 : i32
      %dma_start3A_140 = tpu.memref_slice %arg4[%arg0, %add3A_5, %dma_start3A_139] : memref<2x12544x64xi32, #tpu.memory_space<hbm>> -> memref<1x8x64xi32, #tpu.memory_space<hbm>>
      %dma_start3A_141 = tpu.memref_squeeze %dma_start3A_140 : memref<1x8x64xi32, #tpu.memory_space<hbm>> -> memref<8x64xi32, #tpu.memory_space<hbm>>
      tpu.enqueue_dma source(%dma_start3A_141 : memref<8x64xi32, #tpu.memory_space<hbm>>) target(%dma_start3A_138 : memref<8x64xi32, #tpu.memory_space<vmem>>) target_semaphore(%run_scoped3A : memref<!tpu.dma_semaphore, #tpu.memory_space<semaphore_mem>>)
      %dma_wait3A_142 = arith.constant 0 : i32
      %dma_wait3A_143 = arith.constant 0 : i32
      %dma_wait3A_144 = tpu.memref_slice %arg10[%dma_wait3A_142, %dma_wait3A_143] : memref<24x64xi32, #tpu.memory_space<vmem>> -> memref<8x64xi32, #tpu.memory_space<vmem>>
      %dma_wait3A_145 = arith.constant 0 : i32
      %dma_wait3A_146 = tpu.memref_slice %arg4[%arg0, %add3A_5, %dma_wait3A_145] : memref<2x12544x64xi32, #tpu.memory_space<hbm>> -> memref<1x8x64xi32, #tpu.memory_space<hbm>>
      %dma_wait3A_147 = tpu.memref_squeeze %dma_wait3A_146 : memref<1x8x64xi32, #tpu.memory_space<hbm>> -> memref<8x64xi32, #tpu.memory_space<hbm>>
      %dma_wait3A_148 = arith.constant 0 : i32
      %dma_wait3A_149 = arith.constant 0 : i32
      %dma_wait3A_150 = tpu.memref_slice %arg10[%dma_wait3A_148, %dma_wait3A_149] : memref<24x64xi32, #tpu.memory_space<vmem>> -> memref<8x64xi32, #tpu.memory_space<vmem>>
      %dma_wait3A_151 = arith.constant 0 : i32
      %dma_wait3A_152 = tpu.memref_slice %arg4[%arg0, %add3A_5, %dma_wait3A_151] : memref<2x12544x64xi32, #tpu.memory_space<hbm>> -> memref<1x8x64xi32, #tpu.memory_space<hbm>>
      %dma_wait3A_153 = tpu.memref_squeeze %dma_wait3A_152 : memref<1x8x64xi32, #tpu.memory_space<hbm>> -> memref<8x64xi32, #tpu.memory_space<hbm>>
      tpu.wait_dma2 semaphore(%run_scoped3A : memref<!tpu.dma_semaphore, #tpu.memory_space<semaphore_mem>>) src(%dma_wait3A_153 : memref<8x64xi32, #tpu.memory_space<hbm>>) dst(%dma_wait3A_150 : memref<8x64xi32, #tpu.memory_space<vmem>>)
      tpu.yield
    }) : () -> ()
    "tpu.region"() ({
      %run_scoped3A = tpu.sem_alloc : memref<!tpu.dma_semaphore, #tpu.memory_space<semaphore_mem>>
      %dma_start3A_130 = arith.constant 0 : i32
      %dma_start3A_131 = arith.constant 0 : i32
      %dma_start3A_132 = tpu.memref_slice %arg11[%dma_start3A_130, %dma_start3A_131] : memref<24x64xf32, #tpu.memory_space<vmem>> -> memref<8x64xf32, #tpu.memory_space<vmem>>
      %dma_start3A_133 = arith.constant 0 : i32
      %dma_start3A_134 = tpu.memref_slice %arg5[%add3A_5, %dma_start3A_133] : memref<12544x64xf32, #tpu.memory_space<hbm>> -> memref<8x64xf32, #tpu.memory_space<hbm>>
      %dma_start3A_135 = arith.constant 0 : i32
      %dma_start3A_136 = arith.constant 0 : i32
      %dma_start3A_137 = tpu.memref_slice %arg11[%dma_start3A_135, %dma_start3A_136] : memref<24x64xf32, #tpu.memory_space<vmem>> -> memref<8x64xf32, #tpu.memory_space<vmem>>
      %dma_start3A_138 = arith.constant 0 : i32
      %dma_start3A_139 = tpu.memref_slice %arg5[%add3A_5, %dma_start3A_138] : memref<12544x64xf32, #tpu.memory_space<hbm>> -> memref<8x64xf32, #tpu.memory_space<hbm>>
      tpu.enqueue_dma source(%dma_start3A_139 : memref<8x64xf32, #tpu.memory_space<hbm>>) target(%dma_start3A_137 : memref<8x64xf32, #tpu.memory_space<vmem>>) target_semaphore(%run_scoped3A : memref<!tpu.dma_semaphore, #tpu.memory_space<semaphore_mem>>)
      %dma_wait3A_140 = arith.constant 0 : i32
      %dma_wait3A_141 = arith.constant 0 : i32
      %dma_wait3A_142 = tpu.memref_slice %arg11[%dma_wait3A_140, %dma_wait3A_141] : memref<24x64xf32, #tpu.memory_space<vmem>> -> memref<8x64xf32, #tpu.memory_space<vmem>>
      %dma_wait3A_143 = arith.constant 0 : i32
      %dma_wait3A_144 = tpu.memref_slice %arg5[%add3A_5, %dma_wait3A_143] : memref<12544x64xf32, #tpu.memory_space<hbm>> -> memref<8x64xf32, #tpu.memory_space<hbm>>
      %dma_wait3A_145 = arith.constant 0 : i32
      %dma_wait3A_146 = arith.constant 0 : i32
      %dma_wait3A_147 = tpu.memref_slice %arg11[%dma_wait3A_145, %dma_wait3A_146] : memref<24x64xf32, #tpu.memory_space<vmem>> -> memref<8x64xf32, #tpu.memory_space<vmem>>
      %dma_wait3A_148 = arith.constant 0 : i32
      %dma_wait3A_149 = tpu.memref_slice %arg5[%add3A_5, %dma_wait3A_148] : memref<12544x64xf32, #tpu.memory_space<hbm>> -> memref<8x64xf32, #tpu.memory_space<hbm>>
      tpu.wait_dma2 semaphore(%run_scoped3A : memref<!tpu.dma_semaphore, #tpu.memory_space<semaphore_mem>>) src(%dma_wait3A_149 : memref<8x64xf32, #tpu.memory_space<hbm>>) dst(%dma_wait3A_147 : memref<8x64xf32, #tpu.memory_space<vmem>>)
      tpu.yield
    }) : () -> ()
    %add3A_6 = arith.constant 8 : i32
    %add3A_7 = arith.addi %mul3A_4, %add3A_6 : i32
    "tpu.region"() ({
      %run_scoped3A = tpu.sem_alloc : memref<!tpu.dma_semaphore, #tpu.memory_space<semaphore_mem>>
      %dma_start3A_130 = arith.constant 8 : i32
      %dma_start3A_131 = arith.constant 0 : i32
      %dma_start3A_132 = tpu.memref_slice %arg9[%dma_start3A_130, %dma_start3A_131] : memref<24x64xi32, #tpu.memory_space<vmem>> -> memref<8x64xi32, #tpu.memory_space<vmem>>
      %dma_start3A_133 = arith.constant 0 : i32
      %dma_start3A_134 = tpu.memref_slice %arg3[%add3A_7, %dma_start3A_133] : memref<12544x64xi32, #tpu.memory_space<hbm>> -> memref<8x64xi32, #tpu.memory_space<hbm>>
      %dma_start3A_135 = arith.constant 8 : i32
      %dma_start3A_136 = arith.constant 0 : i32
      %dma_start3A_137 = tpu.memref_slice %arg9[%dma_start3A_135, %dma_start3A_136] : memref<24x64xi32, #tpu.memory_space<vmem>> -> memref<8x64xi32, #tpu.memory_space<vmem>>
      %dma_start3A_138 = arith.constant 0 : i32
      %dma_start3A_139 = tpu.memref_slice %arg3[%add3A_7, %dma_start3A_138] : memref<12544x64xi32, #tpu.memory_space<hbm>> -> memref<8x64xi32, #tpu.memory_space<hbm>>
      tpu.enqueue_dma source(%dma_start3A_139 : memref<8x64xi32, #tpu.memory_space<hbm>>) target(%dma_start3A_137 : memref<8x64xi32, #tpu.memory_space<vmem>>) target_semaphore(%run_scoped3A : memref<!tpu.dma_semaphore, #tpu.memory_space<semaphore_mem>>)
      %dma_wait3A_140 = arith.constant 8 : i32
      %dma_wait3A_141 = arith.constant 0 : i32
      %dma_wait3A_142 = tpu.memref_slice %arg9[%dma_wait3A_140, %dma_wait3A_141] : memref<24x64xi32, #tpu.memory_space<vmem>> -> memref<8x64xi32, #tpu.memory_space<vmem>>
      %dma_wait3A_143 = arith.constant 0 : i32
      %dma_wait3A_144 = tpu.memref_slice %arg3[%add3A_7, %dma_wait3A_143] : memref<12544x64xi32, #tpu.memory_space<hbm>> -> memref<8x64xi32, #tpu.memory_space<hbm>>
      %dma_wait3A_145 = arith.constant 8 : i32
      %dma_wait3A_146 = arith.constant 0 : i32
      %dma_wait3A_147 = tpu.memref_slice %arg9[%dma_wait3A_145, %dma_wait3A_146] : memref<24x64xi32, #tpu.memory_space<vmem>> -> memref<8x64xi32, #tpu.memory_space<vmem>>
      %dma_wait3A_148 = arith.constant 0 : i32
      %dma_wait3A_149 = tpu.memref_slice %arg3[%add3A_7, %dma_wait3A_148] : memref<12544x64xi32, #tpu.memory_space<hbm>> -> memref<8x64xi32, #tpu.memory_space<hbm>>
      tpu.wait_dma2 semaphore(%run_scoped3A : memref<!tpu.dma_semaphore, #tpu.memory_space<semaphore_mem>>) src(%dma_wait3A_149 : memref<8x64xi32, #tpu.memory_space<hbm>>) dst(%dma_wait3A_147 : memref<8x64xi32, #tpu.memory_space<vmem>>)
      tpu.yield
    }) : () -> ()
    "tpu.region"() ({
      %run_scoped3A = tpu.sem_alloc : memref<!tpu.dma_semaphore, #tpu.memory_space<semaphore_mem>>
      %dma_start3A_130 = arith.constant 8 : i32
      %dma_start3A_131 = arith.constant 0 : i32
      %dma_start3A_132 = tpu.memref_slice %arg10[%dma_start3A_130, %dma_start3A_131] : memref<24x64xi32, #tpu.memory_space<vmem>> -> memref<8x64xi32, #tpu.memory_space<vmem>>
      %dma_start3A_133 = arith.constant 0 : i32
      %dma_start3A_134 = tpu.memref_slice %arg4[%arg0, %add3A_7, %dma_start3A_133] : memref<2x12544x64xi32, #tpu.memory_space<hbm>> -> memref<1x8x64xi32, #tpu.memory_space<hbm>>
      %dma_start3A_135 = tpu.memref_squeeze %dma_start3A_134 : memref<1x8x64xi32, #tpu.memory_space<hbm>> -> memref<8x64xi32, #tpu.memory_space<hbm>>
      %dma_start3A_136 = arith.constant 8 : i32
      %dma_start3A_137 = arith.constant 0 : i32
      %dma_start3A_138 = tpu.memref_slice %arg10[%dma_start3A_136, %dma_start3A_137] : memref<24x64xi32, #tpu.memory_space<vmem>> -> memref<8x64xi32, #tpu.memory_space<vmem>>
      %dma_start3A_139 = arith.constant 0 : i32
      %dma_start3A_140 = tpu.memref_slice %arg4[%arg0, %add3A_7, %dma_start3A_139] : memref<2x12544x64xi32, #tpu.memory_space<hbm>> -> memref<1x8x64xi32, #tpu.memory_space<hbm>>
      %dma_start3A_141 = tpu.memref_squeeze %dma_start3A_140 : memref<1x8x64xi32, #tpu.memory_space<hbm>> -> memref<8x64xi32, #tpu.memory_space<hbm>>
      tpu.enqueue_dma source(%dma_start3A_141 : memref<8x64xi32, #tpu.memory_space<hbm>>) target(%dma_start3A_138 : memref<8x64xi32, #tpu.memory_space<vmem>>) target_semaphore(%run_scoped3A : memref<!tpu.dma_semaphore, #tpu.memory_space<semaphore_mem>>)
      %dma_wait3A_142 = arith.constant 8 : i32
      %dma_wait3A_143 = arith.constant 0 : i32
      %dma_wait3A_144 = tpu.memref_slice %arg10[%dma_wait3A_142, %dma_wait3A_143] : memref<24x64xi32, #tpu.memory_space<vmem>> -> memref<8x64xi32, #tpu.memory_space<vmem>>
      %dma_wait3A_145 = arith.constant 0 : i32
      %dma_wait3A_146 = tpu.memref_slice %arg4[%arg0, %add3A_7, %dma_wait3A_145] : memref<2x12544x64xi32, #tpu.memory_space<hbm>> -> memref<1x8x64xi32, #tpu.memory_space<hbm>>
      %dma_wait3A_147 = tpu.memref_squeeze %dma_wait3A_146 : memref<1x8x64xi32, #tpu.memory_space<hbm>> -> memref<8x64xi32, #tpu.memory_space<hbm>>
      %dma_wait3A_148 = arith.constant 8 : i32
      %dma_wait3A_149 = arith.constant 0 : i32
      %dma_wait3A_150 = tpu.memref_slice %arg10[%dma_wait3A_148, %dma_wait3A_149] : memref<24x64xi32, #tpu.memory_space<vmem>> -> memref<8x64xi32, #tpu.memory_space<vmem>>
      %dma_wait3A_151 = arith.constant 0 : i32
      %dma_wait3A_152 = tpu.memref_slice %arg4[%arg0, %add3A_7, %dma_wait3A_151] : memref<2x12544x64xi32, #tpu.memory_space<hbm>> -> memref<1x8x64xi32, #tpu.memory_space<hbm>>
      %dma_wait3A_153 = tpu.memref_squeeze %dma_wait3A_152 : memref<1x8x64xi32, #tpu.memory_space<hbm>> -> memref<8x64xi32, #tpu.memory_space<hbm>>
      tpu.wait_dma2 semaphore(%run_scoped3A : memref<!tpu.dma_semaphore, #tpu.memory_space<semaphore_mem>>) src(%dma_wait3A_153 : memref<8x64xi32, #tpu.memory_space<hbm>>) dst(%dma_wait3A_150 : memref<8x64xi32, #tpu.memory_space<vmem>>)
      tpu.yield
    }) : () -> ()
    "tpu.region"() ({
      %run_scoped3A = tpu.sem_alloc : memref<!tpu.dma_semaphore, #tpu.memory_space<semaphore_mem>>
      %dma_start3A_130 = arith.constant 8 : i32
      %dma_start3A_131 = arith.constant 0 : i32
      %dma_start3A_132 = tpu.memref_slice %arg11[%dma_start3A_130, %dma_start3A_131] : memref<24x64xf32, #tpu.memory_space<vmem>> -> memref<8x64xf32, #tpu.memory_space<vmem>>
      %dma_start3A_133 = arith.constant 0 : i32
      %dma_start3A_134 = tpu.memref_slice %arg5[%add3A_7, %dma_start3A_133] : memref<12544x64xf32, #tpu.memory_space<hbm>> -> memref<8x64xf32, #tpu.memory_space<hbm>>
      %dma_start3A_135 = arith.constant 8 : i32
      %dma_start3A_136 = arith.constant 0 : i32
      %dma_start3A_137 = tpu.memref_slice %arg11[%dma_start3A_135, %dma_start3A_136] : memref<24x64xf32, #tpu.memory_space<vmem>> -> memref<8x64xf32, #tpu.memory_space<vmem>>
      %dma_start3A_138 = arith.constant 0 : i32
      %dma_start3A_139 = tpu.memref_slice %arg5[%add3A_7, %dma_start3A_138] : memref<12544x64xf32, #tpu.memory_space<hbm>> -> memref<8x64xf32, #tpu.memory_space<hbm>>
      tpu.enqueue_dma source(%dma_start3A_139 : memref<8x64xf32, #tpu.memory_space<hbm>>) target(%dma_start3A_137 : memref<8x64xf32, #tpu.memory_space<vmem>>) target_semaphore(%run_scoped3A : memref<!tpu.dma_semaphore, #tpu.memory_space<semaphore_mem>>)
      %dma_wait3A_140 = arith.constant 8 : i32
      %dma_wait3A_141 = arith.constant 0 : i32
      %dma_wait3A_142 = tpu.memref_slice %arg11[%dma_wait3A_140, %dma_wait3A_141] : memref<24x64xf32, #tpu.memory_space<vmem>> -> memref<8x64xf32, #tpu.memory_space<vmem>>
      %dma_wait3A_143 = arith.constant 0 : i32
      %dma_wait3A_144 = tpu.memref_slice %arg5[%add3A_7, %dma_wait3A_143] : memref<12544x64xf32, #tpu.memory_space<hbm>> -> memref<8x64xf32, #tpu.memory_space<hbm>>
      %dma_wait3A_145 = arith.constant 8 : i32
      %dma_wait3A_146 = arith.constant 0 : i32
      %dma_wait3A_147 = tpu.memref_slice %arg11[%dma_wait3A_145, %dma_wait3A_146] : memref<24x64xf32, #tpu.memory_space<vmem>> -> memref<8x64xf32, #tpu.memory_space<vmem>>
      %dma_wait3A_148 = arith.constant 0 : i32
      %dma_wait3A_149 = tpu.memref_slice %arg5[%add3A_7, %dma_wait3A_148] : memref<12544x64xf32, #tpu.memory_space<hbm>> -> memref<8x64xf32, #tpu.memory_space<hbm>>
      tpu.wait_dma2 semaphore(%run_scoped3A : memref<!tpu.dma_semaphore, #tpu.memory_space<semaphore_mem>>) src(%dma_wait3A_149 : memref<8x64xf32, #tpu.memory_space<hbm>>) dst(%dma_wait3A_147 : memref<8x64xf32, #tpu.memory_space<vmem>>)
      tpu.yield
    }) : () -> ()
    %add3A_8 = arith.constant 16 : i32
    %add3A_9 = arith.addi %mul3A_4, %add3A_8 : i32
    %dma_start3A = arith.constant 16 : i32
    %dma_start3A_10 = arith.constant 0 : i32
    %dma_start3A_11 = tpu.memref_slice %arg9[%dma_start3A, %dma_start3A_10] : memref<24x64xi32, #tpu.memory_space<vmem>> -> memref<8x64xi32, #tpu.memory_space<vmem>>
    %dma_start3A_12 = arith.constant 0 : i32
    %dma_start3A_13 = tpu.memref_slice %arg3[%add3A_9, %dma_start3A_12] : memref<12544x64xi32, #tpu.memory_space<hbm>> -> memref<8x64xi32, #tpu.memory_space<hbm>>
    %dma_start3A_14 = arith.constant 16 : i32
    %dma_start3A_15 = arith.constant 0 : i32
    %dma_start3A_16 = tpu.memref_slice %arg9[%dma_start3A_14, %dma_start3A_15] : memref<24x64xi32, #tpu.memory_space<vmem>> -> memref<8x64xi32, #tpu.memory_space<vmem>>
    %dma_start3A_17 = arith.constant 0 : i32
    %dma_start3A_18 = tpu.memref_slice %arg3[%add3A_9, %dma_start3A_17] : memref<12544x64xi32, #tpu.memory_space<hbm>> -> memref<8x64xi32, #tpu.memory_space<hbm>>
    tpu.enqueue_dma source(%dma_start3A_18 : memref<8x64xi32, #tpu.memory_space<hbm>>) target(%dma_start3A_16 : memref<8x64xi32, #tpu.memory_space<vmem>>) target_semaphore(%arg14 : memref<!tpu.dma_semaphore, #tpu.memory_space<semaphore_mem>>)
    %dma_start3A_19 = arith.constant 16 : i32
    %dma_start3A_20 = arith.constant 0 : i32
    %dma_start3A_21 = tpu.memref_slice %arg10[%dma_start3A_19, %dma_start3A_20] : memref<24x64xi32, #tpu.memory_space<vmem>> -> memref<8x64xi32, #tpu.memory_space<vmem>>
    %dma_start3A_22 = arith.constant 0 : i32
    %dma_start3A_23 = tpu.memref_slice %arg4[%arg0, %add3A_9, %dma_start3A_22] : memref<2x12544x64xi32, #tpu.memory_space<hbm>> -> memref<1x8x64xi32, #tpu.memory_space<hbm>>
    %dma_start3A_24 = tpu.memref_squeeze %dma_start3A_23 : memref<1x8x64xi32, #tpu.memory_space<hbm>> -> memref<8x64xi32, #tpu.memory_space<hbm>>
    %dma_start3A_25 = arith.constant 16 : i32
    %dma_start3A_26 = arith.constant 0 : i32
    %dma_start3A_27 = tpu.memref_slice %arg10[%dma_start3A_25, %dma_start3A_26] : memref<24x64xi32, #tpu.memory_space<vmem>> -> memref<8x64xi32, #tpu.memory_space<vmem>>
    %dma_start3A_28 = arith.constant 0 : i32
    %dma_start3A_29 = tpu.memref_slice %arg4[%arg0, %add3A_9, %dma_start3A_28] : memref<2x12544x64xi32, #tpu.memory_space<hbm>> -> memref<1x8x64xi32, #tpu.memory_space<hbm>>
    %dma_start3A_30 = tpu.memref_squeeze %dma_start3A_29 : memref<1x8x64xi32, #tpu.memory_space<hbm>> -> memref<8x64xi32, #tpu.memory_space<hbm>>
    tpu.enqueue_dma source(%dma_start3A_30 : memref<8x64xi32, #tpu.memory_space<hbm>>) target(%dma_start3A_27 : memref<8x64xi32, #tpu.memory_space<vmem>>) target_semaphore(%arg14 : memref<!tpu.dma_semaphore, #tpu.memory_space<semaphore_mem>>)
    %dma_start3A_31 = arith.constant 16 : i32
    %dma_start3A_32 = arith.constant 0 : i32
    %dma_start3A_33 = tpu.memref_slice %arg11[%dma_start3A_31, %dma_start3A_32] : memref<24x64xf32, #tpu.memory_space<vmem>> -> memref<8x64xf32, #tpu.memory_space<vmem>>
    %dma_start3A_34 = arith.constant 0 : i32
    %dma_start3A_35 = tpu.memref_slice %arg5[%add3A_9, %dma_start3A_34] : memref<12544x64xf32, #tpu.memory_space<hbm>> -> memref<8x64xf32, #tpu.memory_space<hbm>>
    %dma_start3A_36 = arith.constant 16 : i32
    %dma_start3A_37 = arith.constant 0 : i32
    %dma_start3A_38 = tpu.memref_slice %arg11[%dma_start3A_36, %dma_start3A_37] : memref<24x64xf32, #tpu.memory_space<vmem>> -> memref<8x64xf32, #tpu.memory_space<vmem>>
    %dma_start3A_39 = arith.constant 0 : i32
    %dma_start3A_40 = tpu.memref_slice %arg5[%add3A_9, %dma_start3A_39] : memref<12544x64xf32, #tpu.memory_space<hbm>> -> memref<8x64xf32, #tpu.memory_space<hbm>>
    tpu.enqueue_dma source(%dma_start3A_40 : memref<8x64xf32, #tpu.memory_space<hbm>>) target(%dma_start3A_38 : memref<8x64xf32, #tpu.memory_space<vmem>>) target_semaphore(%arg14 : memref<!tpu.dma_semaphore, #tpu.memory_space<semaphore_mem>>)
    %dma_start3A_41 = arith.constant 0 : i32
    %dma_start3A_42 = arith.constant 0 : i32
    %dma_start3A_43 = arith.constant 0 : i32
    %dma_start3A_44 = arith.constant 0 : i32
    %dma_start3A_45 = tpu.memref_slice %arg12[%dma_start3A_42, %dma_start3A_43, %dma_start3A_44] : memref<6x64x32xi32, #tpu.memory_space<vmem>> -> memref<1x64x32xi32, #tpu.memory_space<vmem>>
    %dma_start3A_46 = tpu.memref_squeeze %dma_start3A_45 : memref<1x64x32xi32, #tpu.memory_space<vmem>> -> memref<64x32xi32, #tpu.memory_space<vmem>>
    %dma_start3A_47 = arith.constant 0 : i32
    %dma_start3A_48 = tpu.memref_slice %arg9[%dma_start3A_41, %dma_start3A_47] : memref<24x64xi32, #tpu.memory_space<vmem>> -> memref<1x64xi32, #tpu.memory_space<vmem>>
    %dma_start3A_49 = tpu.memref_squeeze %dma_start3A_48 : memref<1x64xi32, #tpu.memory_space<vmem>> -> memref<64xi32, #tpu.memory_space<vmem>>
    %dma_start3A_50 = arith.constant 0 : i32
    %dma_start3A_51 = arith.constant 0 : i32
    %dma_start3A_52 = tpu.memref_slice %arg2[%dma_start3A_50, %dma_start3A_51] : memref<100000x32xi32, #tpu.memory_space<hbm>> -> memref<100000x32xi32, #tpu.memory_space<hbm>>
    tpu.enqueue_indirect_dma source(%dma_start3A_52 : memref<100000x32xi32, #tpu.memory_space<hbm>>) target(%dma_start3A_46 : memref<64x32xi32, #tpu.memory_space<vmem>>) offsets(%dma_start3A_49 : memref<64xi32, #tpu.memory_space<vmem>>) semaphore(%arg15 : memref<!tpu.dma_semaphore, #tpu.memory_space<semaphore_mem>>)
    %dma_start3A_53 = arith.constant 1 : i32
    %dma_start3A_54 = arith.constant 1 : i32
    %dma_start3A_55 = arith.constant 0 : i32
    %dma_start3A_56 = arith.constant 0 : i32
    %dma_start3A_57 = tpu.memref_slice %arg12[%dma_start3A_54, %dma_start3A_55, %dma_start3A_56] : memref<6x64x32xi32, #tpu.memory_space<vmem>> -> memref<1x64x32xi32, #tpu.memory_space<vmem>>
    %dma_start3A_58 = tpu.memref_squeeze %dma_start3A_57 : memref<1x64x32xi32, #tpu.memory_space<vmem>> -> memref<64x32xi32, #tpu.memory_space<vmem>>
    %dma_start3A_59 = arith.constant 0 : i32
    %dma_start3A_60 = tpu.memref_slice %arg9[%dma_start3A_53, %dma_start3A_59] : memref<24x64xi32, #tpu.memory_space<vmem>> -> memref<1x64xi32, #tpu.memory_space<vmem>>
    %dma_start3A_61 = tpu.memref_squeeze %dma_start3A_60 : memref<1x64xi32, #tpu.memory_space<vmem>> -> memref<64xi32, #tpu.memory_space<vmem>>
    %dma_start3A_62 = arith.constant 0 : i32
    %dma_start3A_63 = arith.constant 0 : i32
    %dma_start3A_64 = tpu.memref_slice %arg2[%dma_start3A_62, %dma_start3A_63] : memref<100000x32xi32, #tpu.memory_space<hbm>> -> memref<100000x32xi32, #tpu.memory_space<hbm>>
    tpu.enqueue_indirect_dma source(%dma_start3A_64 : memref<100000x32xi32, #tpu.memory_space<hbm>>) target(%dma_start3A_58 : memref<64x32xi32, #tpu.memory_space<vmem>>) offsets(%dma_start3A_61 : memref<64xi32, #tpu.memory_space<vmem>>) semaphore(%arg15 : memref<!tpu.dma_semaphore, #tpu.memory_space<semaphore_mem>>)
    %dma_start3A_65 = arith.constant 2 : i32
    %dma_start3A_66 = arith.constant 2 : i32
    %dma_start3A_67 = arith.constant 0 : i32
    %dma_start3A_68 = arith.constant 0 : i32
    %dma_start3A_69 = tpu.memref_slice %arg12[%dma_start3A_66, %dma_start3A_67, %dma_start3A_68] : memref<6x64x32xi32, #tpu.memory_space<vmem>> -> memref<1x64x32xi32, #tpu.memory_space<vmem>>
    %dma_start3A_70 = tpu.memref_squeeze %dma_start3A_69 : memref<1x64x32xi32, #tpu.memory_space<vmem>> -> memref<64x32xi32, #tpu.memory_space<vmem>>
    %dma_start3A_71 = arith.constant 0 : i32
    %dma_start3A_72 = tpu.memref_slice %arg9[%dma_start3A_65, %dma_start3A_71] : memref<24x64xi32, #tpu.memory_space<vmem>> -> memref<1x64xi32, #tpu.memory_space<vmem>>
    %dma_start3A_73 = tpu.memref_squeeze %dma_start3A_72 : memref<1x64xi32, #tpu.memory_space<vmem>> -> memref<64xi32, #tpu.memory_space<vmem>>
    %dma_start3A_74 = arith.constant 0 : i32
    %dma_start3A_75 = arith.constant 0 : i32
    %dma_start3A_76 = tpu.memref_slice %arg2[%dma_start3A_74, %dma_start3A_75] : memref<100000x32xi32, #tpu.memory_space<hbm>> -> memref<100000x32xi32, #tpu.memory_space<hbm>>
    tpu.enqueue_indirect_dma source(%dma_start3A_76 : memref<100000x32xi32, #tpu.memory_space<hbm>>) target(%dma_start3A_70 : memref<64x32xi32, #tpu.memory_space<vmem>>) offsets(%dma_start3A_73 : memref<64xi32, #tpu.memory_space<vmem>>) semaphore(%arg15 : memref<!tpu.dma_semaphore, #tpu.memory_space<semaphore_mem>>)
    %dma_start3A_77 = arith.constant 3 : i32
    %dma_start3A_78 = arith.constant 3 : i32
    %dma_start3A_79 = arith.constant 0 : i32
    %dma_start3A_80 = arith.constant 0 : i32
    %dma_start3A_81 = tpu.memref_slice %arg12[%dma_start3A_78, %dma_start3A_79, %dma_start3A_80] : memref<6x64x32xi32, #tpu.memory_space<vmem>> -> memref<1x64x32xi32, #tpu.memory_space<vmem>>
    %dma_start3A_82 = tpu.memref_squeeze %dma_start3A_81 : memref<1x64x32xi32, #tpu.memory_space<vmem>> -> memref<64x32xi32, #tpu.memory_space<vmem>>
    %dma_start3A_83 = arith.constant 0 : i32
    %dma_start3A_84 = tpu.memref_slice %arg9[%dma_start3A_77, %dma_start3A_83] : memref<24x64xi32, #tpu.memory_space<vmem>> -> memref<1x64xi32, #tpu.memory_space<vmem>>
    %dma_start3A_85 = tpu.memref_squeeze %dma_start3A_84 : memref<1x64xi32, #tpu.memory_space<vmem>> -> memref<64xi32, #tpu.memory_space<vmem>>
    %dma_start3A_86 = arith.constant 0 : i32
    %dma_start3A_87 = arith.constant 0 : i32
    %dma_start3A_88 = tpu.memref_slice %arg2[%dma_start3A_86, %dma_start3A_87] : memref<100000x32xi32, #tpu.memory_space<hbm>> -> memref<100000x32xi32, #tpu.memory_space<hbm>>
    tpu.enqueue_indirect_dma source(%dma_start3A_88 : memref<100000x32xi32, #tpu.memory_space<hbm>>) target(%dma_start3A_82 : memref<64x32xi32, #tpu.memory_space<vmem>>) offsets(%dma_start3A_85 : memref<64xi32, #tpu.memory_space<vmem>>) semaphore(%arg15 : memref<!tpu.dma_semaphore, #tpu.memory_space<semaphore_mem>>)
    %scan3A = arith.constant 0 : i32
    %scan3A_89 = arith.constant 784 : i32
    %scan3A_90 = arith.addi %scan3A, %scan3A_89 : i32
    %scan3A_91 = arith.constant 1 : i32
    scf.for %scan3A_130 = %scan3A to %scan3A_90 step %scan3A_91  : i32 {
      %mul3A_131 = arith.constant 1 : i32
      %mul3A_132 = arith.muli %scan3A_130, %mul3A_131 : i32
      %add3A_133 = arith.constant 0 : i32
      %add3A_134 = arith.addi %add3A_133, %mul3A_132 : i32
      %ge3A = arith.constant 2 : i32
      %ge3A_135 = arith.cmpi sge, %add3A_134, %ge3A : i32
      %convert_element_type3A_136 = arith.extui %ge3A_135 : i1 to i32
      %cond3A_137 = arith.constant 0 : i32
      %cond3A_138 = arith.cmpi ne, %convert_element_type3A_136, %cond3A_137 : i32
      scf.if %cond3A_138 {
        %sub3A_257 = arith.constant 2 : i32
        %sub3A_258 = arith.subi %add3A_134, %sub3A_257 : i32
        %jit3A_259 = arith.constant 3 : i32
        %eq3A_260 = arith.constant 0 : i32
        %eq3A_261 = arith.cmpi eq, %jit3A_259, %eq3A_260 : i32
        %jit3A_262 = arith.constant 1 : i32
        %select_n3A_263 = arith.select %eq3A_261, %jit3A_262, %jit3A_259 : i32
        %rem3A_264 = arith.remsi %sub3A_258, %select_n3A_263 : i32
        %ne3A_265 = arith.constant 0 : i32
        %ne3A_266 = arith.cmpi ne, %rem3A_264, %ne3A_265 : i32
        %lt3A_267 = arith.constant 0 : i32
        %lt3A_268 = arith.cmpi slt, %rem3A_264, %lt3A_267 : i32
        %lt3A_269 = arith.constant 0 : i32
        %lt3A_270 = arith.cmpi slt, %select_n3A_263, %lt3A_269 : i32
        %ne3A_271 = arith.xori %lt3A_268, %lt3A_270 : i1
        %and3A_272 = arith.andi %ne3A_271, %ne3A_266 : i1
        %add3A_273 = arith.addi %rem3A_264, %select_n3A_263 : i32
        %select_n3A_274 = arith.select %and3A_272, %add3A_273, %rem3A_264 : i32
        %dma_wait3A_275 = arith.constant 0 : i32
        %dma_wait3A_276 = arith.constant 0 : i32
        %dma_wait3A_277 = tpu.memref_slice %arg13[%select_n3A_274, %dma_wait3A_275, %dma_wait3A_276] : memref<3x64x64xf32, #tpu.memory_space<vmem>> -> memref<1x64x64xf32, #tpu.memory_space<vmem>>
        %dma_wait3A_278 = tpu.memref_squeeze %dma_wait3A_277 : memref<1x64x64xf32, #tpu.memory_space<vmem>> -> memref<64x64xf32, #tpu.memory_space<vmem>>
        %dma_wait3A_279 = arith.constant 0 : i32
        %dma_wait3A_280 = arith.constant 0 : i32
        %dma_wait3A_281 = tpu.memref_slice %arg6[%dma_wait3A_279, %dma_wait3A_280] : memref<1568x64xf32, #tpu.memory_space<hbm>> -> memref<64x64xf32, #tpu.memory_space<hbm>>
        %dma_wait3A_282 = arith.constant 0 : i32
        %dma_wait3A_283 = arith.constant 0 : i32
        %dma_wait3A_284 = tpu.memref_slice %arg13[%select_n3A_274, %dma_wait3A_282, %dma_wait3A_283] : memref<3x64x64xf32, #tpu.memory_space<vmem>> -> memref<1x64x64xf32, #tpu.memory_space<vmem>>
        %dma_wait3A_285 = tpu.memref_squeeze %dma_wait3A_284 : memref<1x64x64xf32, #tpu.memory_space<vmem>> -> memref<64x64xf32, #tpu.memory_space<vmem>>
        %dma_wait3A_286 = arith.constant 0 : i32
        %dma_wait3A_287 = arith.constant 0 : i32
        %dma_wait3A_288 = tpu.memref_slice %arg6[%dma_wait3A_286, %dma_wait3A_287] : memref<1568x64xf32, #tpu.memory_space<hbm>> -> memref<64x64xf32, #tpu.memory_space<hbm>>
        tpu.wait_dma2 semaphore(%arg16 : memref<!tpu.dma_semaphore, #tpu.memory_space<semaphore_mem>>) src(%dma_wait3A_288 : memref<64x64xf32, #tpu.memory_space<hbm>>) dst(%dma_wait3A_285 : memref<64x64xf32, #tpu.memory_space<vmem>>)
      } else {
      }
      %jit3A = arith.constant 8 : i32
      %div3A = arith.divsi %add3A_134, %jit3A : i32
      %sign3A = arith.constant 0 : i32
      %sign3A_139 = arith.cmpi sgt, %add3A_134, %sign3A : i32
      %sign3A_140 = arith.extui %sign3A_139 : i1 to i32
      %sign3A_141 = arith.constant 0 : i32
      %sign3A_142 = arith.cmpi slt, %add3A_134, %sign3A_141 : i32
      %sign3A_143 = arith.extui %sign3A_142 : i1 to i32
      %sign3A_144 = arith.subi %sign3A_140, %sign3A_143 : i32
      %sign3A_145 = arith.constant 0 : i32
      %sign3A_146 = arith.cmpi sgt, %jit3A, %sign3A_145 : i32
      %sign3A_147 = arith.extui %sign3A_146 : i1 to i32
      %sign3A_148 = arith.constant 0 : i32
      %sign3A_149 = arith.cmpi slt, %jit3A, %sign3A_148 : i32
      %sign3A_150 = arith.extui %sign3A_149 : i1 to i32
      %sign3A_151 = arith.subi %sign3A_147, %sign3A_150 : i32
      %ne3A = arith.cmpi ne, %sign3A_144, %sign3A_151 : i32
      %rem3A = arith.remsi %add3A_134, %jit3A : i32
      %ne3A_152 = arith.constant 0 : i32
      %ne3A_153 = arith.cmpi ne, %rem3A, %ne3A_152 : i32
      %and3A = arith.andi %ne3A, %ne3A_153 : i1
      %sub3A = arith.constant 1 : i32
      %sub3A_154 = arith.subi %div3A, %sub3A : i32
      %select_n3A = arith.select %and3A, %sub3A_154, %div3A : i32
      %gt3A = arith.constant 0 : i32
      %gt3A_155 = arith.cmpi sgt, %add3A_134, %gt3A : i32
      %jit3A_156 = arith.constant 8 : i32
      %eq3A_157 = arith.constant 0 : i32
      %eq3A_158 = arith.cmpi eq, %jit3A_156, %eq3A_157 : i32
      %jit3A_159 = arith.constant 1 : i32
      %select_n3A_160 = arith.select %eq3A_158, %jit3A_159, %jit3A_156 : i32
      %rem3A_161 = arith.remsi %add3A_134, %select_n3A_160 : i32
      %ne3A_162 = arith.constant 0 : i32
      %ne3A_163 = arith.cmpi ne, %rem3A_161, %ne3A_162 : i32
      %lt3A = arith.constant 0 : i32
      %lt3A_164 = arith.cmpi slt, %rem3A_161, %lt3A : i32
      %lt3A_165 = arith.constant 0 : i32
      %lt3A_166 = arith.cmpi slt, %select_n3A_160, %lt3A_165 : i32
      %ne3A_167 = arith.xori %lt3A_164, %lt3A_166 : i1
      %and3A_168 = arith.andi %ne3A_167, %ne3A_163 : i1
      %add3A_169 = arith.addi %rem3A_161, %select_n3A_160 : i32
      %select_n3A_170 = arith.select %and3A_168, %add3A_169, %rem3A_161 : i32
      %eq3A_171 = arith.constant 0 : i32
      %eq3A_172 = arith.cmpi eq, %select_n3A_170, %eq3A_171 : i32
      %and3A_173 = arith.andi %gt3A_155, %eq3A_172 : i1
      %convert_element_type3A_174 = arith.extui %and3A_173 : i1 to i32
      %cond3A_175 = arith.constant 0 : i32
      %cond3A_176 = arith.cmpi ne, %convert_element_type3A_174, %cond3A_175 : i32
      scf.if %cond3A_176 {
        %add3A_257 = arith.constant 1 : i32
        %add3A_258 = arith.addi %select_n3A, %add3A_257 : i32
        %le3A_259 = arith.constant 97 : i32
        %le3A_260 = arith.cmpi sle, %add3A_258, %le3A_259 : i32
        %convert_element_type3A_261 = arith.extui %le3A_260 : i1 to i32
        %cond3A_262 = arith.constant 0 : i32
        %cond3A_263 = arith.cmpi ne, %convert_element_type3A_261, %cond3A_262 : i32
        scf.if %cond3A_263 {
          %add3A_271 = arith.constant 1 : i32
          %add3A_272 = arith.addi %select_n3A, %add3A_271 : i32
          %add3A_273 = arith.constant 1 : i32
          %add3A_274 = arith.addi %select_n3A, %add3A_273 : i32
          %jit3A_275 = arith.constant 3 : i32
          %eq3A_276 = arith.constant 0 : i32
          %eq3A_277 = arith.cmpi eq, %jit3A_275, %eq3A_276 : i32
          %jit3A_278 = arith.constant 1 : i32
          %select_n3A_279 = arith.select %eq3A_277, %jit3A_278, %jit3A_275 : i32
          %rem3A_280 = arith.remsi %add3A_274, %select_n3A_279 : i32
          %ne3A_281 = arith.constant 0 : i32
          %ne3A_282 = arith.cmpi ne, %rem3A_280, %ne3A_281 : i32
          %lt3A_283 = arith.constant 0 : i32
          %lt3A_284 = arith.cmpi slt, %rem3A_280, %lt3A_283 : i32
          %lt3A_285 = arith.constant 0 : i32
          %lt3A_286 = arith.cmpi slt, %select_n3A_279, %lt3A_285 : i32
          %ne3A_287 = arith.xori %lt3A_284, %lt3A_286 : i1
          %and3A_288 = arith.andi %ne3A_287, %ne3A_282 : i1
          %add3A_289 = arith.addi %rem3A_280, %select_n3A_279 : i32
          %select_n3A_290 = arith.select %and3A_288, %add3A_289, %rem3A_280 : i32
          %mul3A_291 = arith.constant 8 : i32
          %mul3A_292 = arith.muli %add3A_272, %mul3A_291 : i32
          %add3A_293 = arith.addi %mul3A_4, %mul3A_292 : i32
          %mul3A_294 = arith.constant 8 : i32
          %mul3A_295 = arith.muli %select_n3A_290, %mul3A_294 : i32
          %dma_wait3A_296 = arith.constant 0 : i32
          %dma_wait3A_297 = tpu.memref_slice %arg9[%mul3A_295, %dma_wait3A_296] : memref<24x64xi32, #tpu.memory_space<vmem>> -> memref<8x64xi32, #tpu.memory_space<vmem>>
          %dma_wait3A_298 = arith.constant 0 : i32
          %dma_wait3A_299 = tpu.memref_slice %arg3[%add3A_293, %dma_wait3A_298] : memref<12544x64xi32, #tpu.memory_space<hbm>> -> memref<8x64xi32, #tpu.memory_space<hbm>>
          %dma_wait3A_300 = arith.constant 0 : i32
          %dma_wait3A_301 = tpu.memref_slice %arg9[%mul3A_295, %dma_wait3A_300] : memref<24x64xi32, #tpu.memory_space<vmem>> -> memref<8x64xi32, #tpu.memory_space<vmem>>
          %dma_wait3A_302 = arith.constant 0 : i32
          %dma_wait3A_303 = tpu.memref_slice %arg3[%add3A_293, %dma_wait3A_302] : memref<12544x64xi32, #tpu.memory_space<hbm>> -> memref<8x64xi32, #tpu.memory_space<hbm>>
          tpu.wait_dma2 semaphore(%arg14 : memref<!tpu.dma_semaphore, #tpu.memory_space<semaphore_mem>>) src(%dma_wait3A_303 : memref<8x64xi32, #tpu.memory_space<hbm>>) dst(%dma_wait3A_301 : memref<8x64xi32, #tpu.memory_space<vmem>>)
          %dma_wait3A_304 = arith.constant 0 : i32
          %dma_wait3A_305 = tpu.memref_slice %arg10[%mul3A_295, %dma_wait3A_304] : memref<24x64xi32, #tpu.memory_space<vmem>> -> memref<8x64xi32, #tpu.memory_space<vmem>>
          %dma_wait3A_306 = arith.constant 0 : i32
          %dma_wait3A_307 = tpu.memref_slice %arg4[%arg0, %add3A_293, %dma_wait3A_306] : memref<2x12544x64xi32, #tpu.memory_space<hbm>> -> memref<1x8x64xi32, #tpu.memory_space<hbm>>
          %dma_wait3A_308 = tpu.memref_squeeze %dma_wait3A_307 : memref<1x8x64xi32, #tpu.memory_space<hbm>> -> memref<8x64xi32, #tpu.memory_space<hbm>>
          %dma_wait3A_309 = arith.constant 0 : i32
          %dma_wait3A_310 = tpu.memref_slice %arg10[%mul3A_295, %dma_wait3A_309] : memref<24x64xi32, #tpu.memory_space<vmem>> -> memref<8x64xi32, #tpu.memory_space<vmem>>
          %dma_wait3A_311 = arith.constant 0 : i32
          %dma_wait3A_312 = tpu.memref_slice %arg4[%arg0, %add3A_293, %dma_wait3A_311] : memref<2x12544x64xi32, #tpu.memory_space<hbm>> -> memref<1x8x64xi32, #tpu.memory_space<hbm>>
          %dma_wait3A_313 = tpu.memref_squeeze %dma_wait3A_312 : memref<1x8x64xi32, #tpu.memory_space<hbm>> -> memref<8x64xi32, #tpu.memory_space<hbm>>
          tpu.wait_dma2 semaphore(%arg14 : memref<!tpu.dma_semaphore, #tpu.memory_space<semaphore_mem>>) src(%dma_wait3A_313 : memref<8x64xi32, #tpu.memory_space<hbm>>) dst(%dma_wait3A_310 : memref<8x64xi32, #tpu.memory_space<vmem>>)
          %dma_wait3A_314 = arith.constant 0 : i32
          %dma_wait3A_315 = tpu.memref_slice %arg11[%mul3A_295, %dma_wait3A_314] : memref<24x64xf32, #tpu.memory_space<vmem>> -> memref<8x64xf32, #tpu.memory_space<vmem>>
          %dma_wait3A_316 = arith.constant 0 : i32
          %dma_wait3A_317 = tpu.memref_slice %arg5[%add3A_293, %dma_wait3A_316] : memref<12544x64xf32, #tpu.memory_space<hbm>> -> memref<8x64xf32, #tpu.memory_space<hbm>>
          %dma_wait3A_318 = arith.constant 0 : i32
          %dma_wait3A_319 = tpu.memref_slice %arg11[%mul3A_295, %dma_wait3A_318] : memref<24x64xf32, #tpu.memory_space<vmem>> -> memref<8x64xf32, #tpu.memory_space<vmem>>
          %dma_wait3A_320 = arith.constant 0 : i32
          %dma_wait3A_321 = tpu.memref_slice %arg5[%add3A_293, %dma_wait3A_320] : memref<12544x64xf32, #tpu.memory_space<hbm>> -> memref<8x64xf32, #tpu.memory_space<hbm>>
          tpu.wait_dma2 semaphore(%arg14 : memref<!tpu.dma_semaphore, #tpu.memory_space<semaphore_mem>>) src(%dma_wait3A_321 : memref<8x64xf32, #tpu.memory_space<hbm>>) dst(%dma_wait3A_319 : memref<8x64xf32, #tpu.memory_space<vmem>>)
        } else {
        }
        %add3A_264 = arith.constant 2 : i32
        %add3A_265 = arith.addi %select_n3A, %add3A_264 : i32
        %le3A_266 = arith.constant 97 : i32
        %le3A_267 = arith.cmpi sle, %add3A_265, %le3A_266 : i32
        %convert_element_type3A_268 = arith.extui %le3A_267 : i1 to i32
        %cond3A_269 = arith.constant 0 : i32
        %cond3A_270 = arith.cmpi ne, %convert_element_type3A_268, %cond3A_269 : i32
        scf.if %cond3A_270 {
          %add3A_271 = arith.constant 2 : i32
          %add3A_272 = arith.addi %select_n3A, %add3A_271 : i32
          %add3A_273 = arith.constant 2 : i32
          %add3A_274 = arith.addi %select_n3A, %add3A_273 : i32
          %jit3A_275 = arith.constant 3 : i32
          %eq3A_276 = arith.constant 0 : i32
          %eq3A_277 = arith.cmpi eq, %jit3A_275, %eq3A_276 : i32
          %jit3A_278 = arith.constant 1 : i32
          %select_n3A_279 = arith.select %eq3A_277, %jit3A_278, %jit3A_275 : i32
          %rem3A_280 = arith.remsi %add3A_274, %select_n3A_279 : i32
          %ne3A_281 = arith.constant 0 : i32
          %ne3A_282 = arith.cmpi ne, %rem3A_280, %ne3A_281 : i32
          %lt3A_283 = arith.constant 0 : i32
          %lt3A_284 = arith.cmpi slt, %rem3A_280, %lt3A_283 : i32
          %lt3A_285 = arith.constant 0 : i32
          %lt3A_286 = arith.cmpi slt, %select_n3A_279, %lt3A_285 : i32
          %ne3A_287 = arith.xori %lt3A_284, %lt3A_286 : i1
          %and3A_288 = arith.andi %ne3A_287, %ne3A_282 : i1
          %add3A_289 = arith.addi %rem3A_280, %select_n3A_279 : i32
          %select_n3A_290 = arith.select %and3A_288, %add3A_289, %rem3A_280 : i32
          %mul3A_291 = arith.constant 8 : i32
          %mul3A_292 = arith.muli %add3A_272, %mul3A_291 : i32
          %add3A_293 = arith.addi %mul3A_4, %mul3A_292 : i32
          %mul3A_294 = arith.constant 8 : i32
          %mul3A_295 = arith.muli %select_n3A_290, %mul3A_294 : i32
          %dma_start3A_296 = arith.constant 0 : i32
          %dma_start3A_297 = tpu.memref_slice %arg9[%mul3A_295, %dma_start3A_296] : memref<24x64xi32, #tpu.memory_space<vmem>> -> memref<8x64xi32, #tpu.memory_space<vmem>>
          %dma_start3A_298 = arith.constant 0 : i32
          %dma_start3A_299 = tpu.memref_slice %arg3[%add3A_293, %dma_start3A_298] : memref<12544x64xi32, #tpu.memory_space<hbm>> -> memref<8x64xi32, #tpu.memory_space<hbm>>
          %dma_start3A_300 = arith.constant 0 : i32
          %dma_start3A_301 = tpu.memref_slice %arg9[%mul3A_295, %dma_start3A_300] : memref<24x64xi32, #tpu.memory_space<vmem>> -> memref<8x64xi32, #tpu.memory_space<vmem>>
          %dma_start3A_302 = arith.constant 0 : i32
          %dma_start3A_303 = tpu.memref_slice %arg3[%add3A_293, %dma_start3A_302] : memref<12544x64xi32, #tpu.memory_space<hbm>> -> memref<8x64xi32, #tpu.memory_space<hbm>>
          tpu.enqueue_dma source(%dma_start3A_303 : memref<8x64xi32, #tpu.memory_space<hbm>>) target(%dma_start3A_301 : memref<8x64xi32, #tpu.memory_space<vmem>>) target_semaphore(%arg14 : memref<!tpu.dma_semaphore, #tpu.memory_space<semaphore_mem>>)
          %dma_start3A_304 = arith.constant 0 : i32
          %dma_start3A_305 = tpu.memref_slice %arg10[%mul3A_295, %dma_start3A_304] : memref<24x64xi32, #tpu.memory_space<vmem>> -> memref<8x64xi32, #tpu.memory_space<vmem>>
          %dma_start3A_306 = arith.constant 0 : i32
          %dma_start3A_307 = tpu.memref_slice %arg4[%arg0, %add3A_293, %dma_start3A_306] : memref<2x12544x64xi32, #tpu.memory_space<hbm>> -> memref<1x8x64xi32, #tpu.memory_space<hbm>>
          %dma_start3A_308 = tpu.memref_squeeze %dma_start3A_307 : memref<1x8x64xi32, #tpu.memory_space<hbm>> -> memref<8x64xi32, #tpu.memory_space<hbm>>
          %dma_start3A_309 = arith.constant 0 : i32
          %dma_start3A_310 = tpu.memref_slice %arg10[%mul3A_295, %dma_start3A_309] : memref<24x64xi32, #tpu.memory_space<vmem>> -> memref<8x64xi32, #tpu.memory_space<vmem>>
          %dma_start3A_311 = arith.constant 0 : i32
          %dma_start3A_312 = tpu.memref_slice %arg4[%arg0, %add3A_293, %dma_start3A_311] : memref<2x12544x64xi32, #tpu.memory_space<hbm>> -> memref<1x8x64xi32, #tpu.memory_space<hbm>>
          %dma_start3A_313 = tpu.memref_squeeze %dma_start3A_312 : memref<1x8x64xi32, #tpu.memory_space<hbm>> -> memref<8x64xi32, #tpu.memory_space<hbm>>
          tpu.enqueue_dma source(%dma_start3A_313 : memref<8x64xi32, #tpu.memory_space<hbm>>) target(%dma_start3A_310 : memref<8x64xi32, #tpu.memory_space<vmem>>) target_semaphore(%arg14 : memref<!tpu.dma_semaphore, #tpu.memory_space<semaphore_mem>>)
          %dma_start3A_314 = arith.constant 0 : i32
          %dma_start3A_315 = tpu.memref_slice %arg11[%mul3A_295, %dma_start3A_314] : memref<24x64xf32, #tpu.memory_space<vmem>> -> memref<8x64xf32, #tpu.memory_space<vmem>>
          %dma_start3A_316 = arith.constant 0 : i32
          %dma_start3A_317 = tpu.memref_slice %arg5[%add3A_293, %dma_start3A_316] : memref<12544x64xf32, #tpu.memory_space<hbm>> -> memref<8x64xf32, #tpu.memory_space<hbm>>
          %dma_start3A_318 = arith.constant 0 : i32
          %dma_start3A_319 = tpu.memref_slice %arg11[%mul3A_295, %dma_start3A_318] : memref<24x64xf32, #tpu.memory_space<vmem>> -> memref<8x64xf32, #tpu.memory_space<vmem>>
          %dma_start3A_320 = arith.constant 0 : i32
          %dma_start3A_321 = tpu.memref_slice %arg5[%add3A_293, %dma_start3A_320] : memref<12544x64xf32, #tpu.memory_space<hbm>> -> memref<8x64xf32, #tpu.memory_space<hbm>>
          tpu.enqueue_dma source(%dma_start3A_321 : memref<8x64xf32, #tpu.memory_space<hbm>>) target(%dma_start3A_319 : memref<8x64xf32, #tpu.memory_space<vmem>>) target_semaphore(%arg14 : memref<!tpu.dma_semaphore, #tpu.memory_space<semaphore_mem>>)
        } else {
        }
      } else {
      }
      %add3A_177 = arith.constant 4 : i32
      %add3A_178 = arith.addi %add3A_134, %add3A_177 : i32
      %le3A = arith.constant 783 : i32
      %le3A_179 = arith.cmpi sle, %add3A_178, %le3A : i32
      %convert_element_type3A_180 = arith.extui %le3A_179 : i1 to i32
      %cond3A_181 = arith.constant 0 : i32
      %cond3A_182 = arith.cmpi ne, %convert_element_type3A_180, %cond3A_181 : i32
      scf.if %cond3A_182 {
        %add3A_257 = arith.constant 4 : i32
        %add3A_258 = arith.addi %add3A_134, %add3A_257 : i32
        %jit3A_259 = arith.constant 24 : i32
        %eq3A_260 = arith.constant 0 : i32
        %eq3A_261 = arith.cmpi eq, %jit3A_259, %eq3A_260 : i32
        %jit3A_262 = arith.constant 1 : i32
        %select_n3A_263 = arith.select %eq3A_261, %jit3A_262, %jit3A_259 : i32
        %rem3A_264 = arith.remsi %add3A_258, %select_n3A_263 : i32
        %ne3A_265 = arith.constant 0 : i32
        %ne3A_266 = arith.cmpi ne, %rem3A_264, %ne3A_265 : i32
        %lt3A_267 = arith.constant 0 : i32
        %lt3A_268 = arith.cmpi slt, %rem3A_264, %lt3A_267 : i32
        %lt3A_269 = arith.constant 0 : i32
        %lt3A_270 = arith.cmpi slt, %select_n3A_263, %lt3A_269 : i32
        %ne3A_271 = arith.xori %lt3A_268, %lt3A_270 : i1
        %and3A_272 = arith.andi %ne3A_271, %ne3A_266 : i1
        %add3A_273 = arith.addi %rem3A_264, %select_n3A_263 : i32
        %select_n3A_274 = arith.select %and3A_272, %add3A_273, %rem3A_264 : i32
        %jit3A_275 = arith.constant 6 : i32
        %eq3A_276 = arith.constant 0 : i32
        %eq3A_277 = arith.cmpi eq, %jit3A_275, %eq3A_276 : i32
        %jit3A_278 = arith.constant 1 : i32
        %select_n3A_279 = arith.select %eq3A_277, %jit3A_278, %jit3A_275 : i32
        %rem3A_280 = arith.remsi %add3A_258, %select_n3A_279 : i32
        %ne3A_281 = arith.constant 0 : i32
        %ne3A_282 = arith.cmpi ne, %rem3A_280, %ne3A_281 : i32
        %lt3A_283 = arith.constant 0 : i32
        %lt3A_284 = arith.cmpi slt, %rem3A_280, %lt3A_283 : i32
        %lt3A_285 = arith.constant 0 : i32
        %lt3A_286 = arith.cmpi slt, %select_n3A_279, %lt3A_285 : i32
        %ne3A_287 = arith.xori %lt3A_284, %lt3A_286 : i1
        %and3A_288 = arith.andi %ne3A_287, %ne3A_282 : i1
        %add3A_289 = arith.addi %rem3A_280, %select_n3A_279 : i32
        %select_n3A_290 = arith.select %and3A_288, %add3A_289, %rem3A_280 : i32
        %dma_start3A_291 = arith.constant 0 : i32
        %dma_start3A_292 = arith.constant 0 : i32
        %dma_start3A_293 = tpu.memref_slice %arg12[%select_n3A_290, %dma_start3A_291, %dma_start3A_292] : memref<6x64x32xi32, #tpu.memory_space<vmem>> -> memref<1x64x32xi32, #tpu.memory_space<vmem>>
        %dma_start3A_294 = tpu.memref_squeeze %dma_start3A_293 : memref<1x64x32xi32, #tpu.memory_space<vmem>> -> memref<64x32xi32, #tpu.memory_space<vmem>>
        %dma_start3A_295 = arith.constant 0 : i32
        %dma_start3A_296 = tpu.memref_slice %arg9[%select_n3A_274, %dma_start3A_295] : memref<24x64xi32, #tpu.memory_space<vmem>> -> memref<1x64xi32, #tpu.memory_space<vmem>>
        %dma_start3A_297 = tpu.memref_squeeze %dma_start3A_296 : memref<1x64xi32, #tpu.memory_space<vmem>> -> memref<64xi32, #tpu.memory_space<vmem>>
        %dma_start3A_298 = arith.constant 0 : i32
        %dma_start3A_299 = arith.constant 0 : i32
        %dma_start3A_300 = tpu.memref_slice %arg2[%dma_start3A_298, %dma_start3A_299] : memref<100000x32xi32, #tpu.memory_space<hbm>> -> memref<100000x32xi32, #tpu.memory_space<hbm>>
        tpu.enqueue_indirect_dma source(%dma_start3A_300 : memref<100000x32xi32, #tpu.memory_space<hbm>>) target(%dma_start3A_294 : memref<64x32xi32, #tpu.memory_space<vmem>>) offsets(%dma_start3A_297 : memref<64xi32, #tpu.memory_space<vmem>>) semaphore(%arg15 : memref<!tpu.dma_semaphore, #tpu.memory_space<semaphore_mem>>)
      } else {
      }
      %jit3A_183 = arith.constant 6 : i32
      %eq3A_184 = arith.constant 0 : i32
      %eq3A_185 = arith.cmpi eq, %jit3A_183, %eq3A_184 : i32
      %jit3A_186 = arith.constant 1 : i32
      %select_n3A_187 = arith.select %eq3A_185, %jit3A_186, %jit3A_183 : i32
      %rem3A_188 = arith.remsi %add3A_134, %select_n3A_187 : i32
      %ne3A_189 = arith.constant 0 : i32
      %ne3A_190 = arith.cmpi ne, %rem3A_188, %ne3A_189 : i32
      %lt3A_191 = arith.constant 0 : i32
      %lt3A_192 = arith.cmpi slt, %rem3A_188, %lt3A_191 : i32
      %lt3A_193 = arith.constant 0 : i32
      %lt3A_194 = arith.cmpi slt, %select_n3A_187, %lt3A_193 : i32
      %ne3A_195 = arith.xori %lt3A_192, %lt3A_194 : i1
      %and3A_196 = arith.andi %ne3A_195, %ne3A_190 : i1
      %add3A_197 = arith.addi %rem3A_188, %select_n3A_187 : i32
      %select_n3A_198 = arith.select %and3A_196, %add3A_197, %rem3A_188 : i32
      %jit3A_199 = arith.constant 3 : i32
      %eq3A_200 = arith.constant 0 : i32
      %eq3A_201 = arith.cmpi eq, %jit3A_199, %eq3A_200 : i32
      %jit3A_202 = arith.constant 1 : i32
      %select_n3A_203 = arith.select %eq3A_201, %jit3A_202, %jit3A_199 : i32
      %rem3A_204 = arith.remsi %add3A_134, %select_n3A_203 : i32
      %ne3A_205 = arith.constant 0 : i32
      %ne3A_206 = arith.cmpi ne, %rem3A_204, %ne3A_205 : i32
      %lt3A_207 = arith.constant 0 : i32
      %lt3A_208 = arith.cmpi slt, %rem3A_204, %lt3A_207 : i32
      %lt3A_209 = arith.constant 0 : i32
      %lt3A_210 = arith.cmpi slt, %select_n3A_203, %lt3A_209 : i32
      %ne3A_211 = arith.xori %lt3A_208, %lt3A_210 : i1
      %and3A_212 = arith.andi %ne3A_211, %ne3A_206 : i1
      %add3A_213 = arith.addi %rem3A_204, %select_n3A_203 : i32
      %select_n3A_214 = arith.select %and3A_212, %add3A_213, %rem3A_204 : i32
      %jit3A_215 = arith.constant 24 : i32
      %eq3A_216 = arith.constant 0 : i32
      %eq3A_217 = arith.cmpi eq, %jit3A_215, %eq3A_216 : i32
      %jit3A_218 = arith.constant 1 : i32
      %select_n3A_219 = arith.select %eq3A_217, %jit3A_218, %jit3A_215 : i32
      %rem3A_220 = arith.remsi %add3A_134, %select_n3A_219 : i32
      %ne3A_221 = arith.constant 0 : i32
      %ne3A_222 = arith.cmpi ne, %rem3A_220, %ne3A_221 : i32
      %lt3A_223 = arith.constant 0 : i32
      %lt3A_224 = arith.cmpi slt, %rem3A_220, %lt3A_223 : i32
      %lt3A_225 = arith.constant 0 : i32
      %lt3A_226 = arith.cmpi slt, %select_n3A_219, %lt3A_225 : i32
      %ne3A_227 = arith.xori %lt3A_224, %lt3A_226 : i1
      %and3A_228 = arith.andi %ne3A_227, %ne3A_222 : i1
      %add3A_229 = arith.addi %rem3A_220, %select_n3A_219 : i32
      %select_n3A_230 = arith.select %and3A_228, %add3A_229, %rem3A_220 : i32
      %dma_wait3A_231 = arith.constant 0 : i32
      %dma_wait3A_232 = arith.constant 0 : i32
      %dma_wait3A_233 = tpu.memref_slice %arg12[%select_n3A_198, %dma_wait3A_231, %dma_wait3A_232] : memref<6x64x32xi32, #tpu.memory_space<vmem>> -> memref<1x64x32xi32, #tpu.memory_space<vmem>>
      %dma_wait3A_234 = tpu.memref_squeeze %dma_wait3A_233 : memref<1x64x32xi32, #tpu.memory_space<vmem>> -> memref<64x32xi32, #tpu.memory_space<vmem>>
      %dma_wait3A_235 = arith.constant 0 : i32
      %dma_wait3A_236 = tpu.memref_slice %arg9[%select_n3A_230, %dma_wait3A_235] : memref<24x64xi32, #tpu.memory_space<vmem>> -> memref<1x64xi32, #tpu.memory_space<vmem>>
      %dma_wait3A_237 = tpu.memref_squeeze %dma_wait3A_236 : memref<1x64xi32, #tpu.memory_space<vmem>> -> memref<64xi32, #tpu.memory_space<vmem>>
      %dma_wait3A_238 = arith.constant 0 : i32
      %dma_wait3A_239 = arith.constant 0 : i32
      %dma_wait3A_240 = tpu.memref_slice %arg2[%dma_wait3A_238, %dma_wait3A_239] : memref<100000x32xi32, #tpu.memory_space<hbm>> -> memref<100000x32xi32, #tpu.memory_space<hbm>>
      tpu.wait_indirect_dma semaphore(%arg15 : memref<!tpu.dma_semaphore, #tpu.memory_space<semaphore_mem>>) src(%dma_wait3A_240 : memref<100000x32xi32, #tpu.memory_space<hbm>>) dst(%dma_wait3A_234 : memref<64x32xi32, #tpu.memory_space<vmem>>)
      %scan3A_241 = arith.constant -65536 : i32
      %scan3A_242 = arith.constant 0 : i32
      %scan3A_243 = arith.constant 4 : i32
      %scan3A_244 = arith.addi %scan3A_242, %scan3A_243 : i32
      %scan3A_245 = arith.constant 1 : i32
      scf.for %scan3A_257 = %scan3A_242 to %scan3A_244 step %scan3A_245  : i32 {
        %mul3A_258 = arith.constant 1 : i32
        %mul3A_259 = arith.muli %scan3A_257, %mul3A_258 : i32
        %add3A_260 = arith.constant 0 : i32
        %add3A_261 = arith.addi %add3A_260, %mul3A_259 : i32
        %mul3A_262 = arith.constant 16 : i32
        %mul3A_263 = arith.muli %add3A_261, %mul3A_262 : i32
        %get3A = arith.index_cast %select_n3A_230 : i32 to index
        %get3A_264 = arith.index_cast %mul3A_263 : i32 to index
        %get3A_265 = tpu.vector_load %arg11[%get3A, %get3A_264] {strides = array<i32>} : memref<24x64xf32, #tpu.memory_space<vmem>>, vector<1x16xf32>,
        %get3A_266 = vector.shape_cast %get3A_265 : vector<1x16xf32> to vector<16xf32>
        %mul3A_267 = arith.constant 16 : i32
        %mul3A_268 = arith.muli %add3A_261, %mul3A_267 : i32
        %add3A_269 = arith.constant 0 : i32
        %add3A_270 = arith.addi %mul3A_268, %add3A_269 : i32
        %slice3A = vector.extract_strided_slice %get3A_266 {offsets = [0], sizes = [1], strides = [1]} : vector<16xf32> to vector<1xf32>
        %squeeze3A = vector.extract %slice3A[0] : f32 from vector<1xf32>
        %get3A_271 = arith.index_cast %select_n3A_198 : i32 to index
        %get3A_272 = arith.index_cast %add3A_270 : i32 to index
        %get3A_273 = arith.constant 0 : index
        %get3A_274 = tpu.vector_load %arg12[%get3A_271, %get3A_272, %get3A_273] {strides = array<i32>} : memref<6x64x32xi32, #tpu.memory_space<vmem>>, vector<1x1x16xi32>,
        %get3A_275 = vector.shape_cast %get3A_274 : vector<1x1x16xi32> to vector<16xi32>
        %shift_left3A = arith.constant 16 : i32
        %shift_left3A_276 = vector.broadcast %shift_left3A : i32 to vector<16xi32>
        %shift_left3A_277 = arith.shli %get3A_275, %shift_left3A_276 : vector<16xi32>
        %bitcast_convert_type3A = tpu.bitcast %shift_left3A_277 : vector<16xi32> -> vector<16xf32>
        %and3A_278 = vector.broadcast %scan3A_241 : i32 to vector<16xi32>
        %and3A_279 = arith.andi %get3A_275, %and3A_278 : vector<16xi32>
        %bitcast_convert_type3A_280 = tpu.bitcast %and3A_279 : vector<16xi32> -> vector<16xf32>
        %mul3A_281 = vector.broadcast %squeeze3A : f32 to vector<16xf32>
        %mul3A_282 = arith.mulf %bitcast_convert_type3A, %mul3A_281 : vector<16xf32>
        %swap3A = arith.index_cast %select_n3A_214 : i32 to index
        %swap3A_283 = arith.index_cast %add3A_270 : i32 to index
        %swap3A_284 = arith.constant 0 : index
        %swap3A_285 = tpu.vector_load %arg13[%swap3A, %swap3A_283, %swap3A_284] {strides = array<i32>} : memref<3x64x64xf32, #tpu.memory_space<vmem>>, vector<1x1x16xf32>,
        %swap3A_286 = vector.shape_cast %swap3A_285 : vector<1x1x16xf32> to vector<16xf32>
        %swap3A_287 = vector.shape_cast %mul3A_282 : vector<16xf32> to vector<1x1x16xf32>
        tpu.vector_store %arg13[%swap3A, %swap3A_283, %swap3A_284], %swap3A_287 {strides = array<i32>} : memref<3x64x64xf32, #tpu.memory_space<vmem>>, vector<1x1x16xf32>,
        %mul3A_288 = vector.broadcast %squeeze3A : f32 to vector<16xf32>
        %mul3A_289 = arith.mulf %bitcast_convert_type3A_280, %mul3A_288 : vector<16xf32>
        %swap3A_290 = arith.index_cast %select_n3A_214 : i32 to index
        %swap3A_291 = arith.index_cast %add3A_270 : i32 to index
        %swap3A_292 = arith.constant 16 : index
        %swap3A_293 = tpu.vector_load %arg13[%swap3A_290, %swap3A_291, %swap3A_292] {strides = array<i32>} : memref<3x64x64xf32, #tpu.memory_space<vmem>>, vector<1x1x16xf32>,
        %swap3A_294 = vector.shape_cast %swap3A_293 : vector<1x1x16xf32> to vector<16xf32>
        %swap3A_295 = vector.shape_cast %mul3A_289 : vector<16xf32> to vector<1x1x16xf32>
        tpu.vector_store %arg13[%swap3A_290, %swap3A_291, %swap3A_292], %swap3A_295 {strides = array<i32>} : memref<3x64x64xf32, #tpu.memory_space<vmem>>, vector<1x1x16xf32>,
        %get3A_296 = arith.index_cast %select_n3A_198 : i32 to index
        %get3A_297 = arith.index_cast %add3A_270 : i32 to index
        %get3A_298 = arith.constant 16 : index
        %get3A_299 = tpu.vector_load %arg12[%get3A_296, %get3A_297, %get3A_298] {strides = array<i32>} : memref<6x64x32xi32, #tpu.memory_space<vmem>>, vector<1x1x16xi32>,
        %get3A_300 = vector.shape_cast %get3A_299 : vector<1x1x16xi32> to vector<16xi32>
        %shift_left3A_301 = arith.constant 16 : i32
        %shift_left3A_302 = vector.broadcast %shift_left3A_301 : i32 to vector<16xi32>
        %shift_left3A_303 = arith.shli %get3A_300, %shift_left3A_302 : vector<16xi32>
        %bitcast_convert_type3A_304 = tpu.bitcast %shift_left3A_303 : vector<16xi32> -> vector<16xf32>
        %and3A_305 = vector.broadcast %scan3A_241 : i32 to vector<16xi32>
        %and3A_306 = arith.andi %get3A_300, %and3A_305 : vector<16xi32>
        %bitcast_convert_type3A_307 = tpu.bitcast %and3A_306 : vector<16xi32> -> vector<16xf32>
        %mul3A_308 = vector.broadcast %squeeze3A : f32 to vector<16xf32>
        %mul3A_309 = arith.mulf %bitcast_convert_type3A_304, %mul3A_308 : vector<16xf32>
        %swap3A_310 = arith.index_cast %select_n3A_214 : i32 to index
        %swap3A_311 = arith.index_cast %add3A_270 : i32 to index
        %swap3A_312 = arith.constant 32 : index
        %swap3A_313 = tpu.vector_load %arg13[%swap3A_310, %swap3A_311, %swap3A_312] {strides = array<i32>} : memref<3x64x64xf32, #tpu.memory_space<vmem>>, vector<1x1x16xf32>,
        %swap3A_314 = vector.shape_cast %swap3A_313 : vector<1x1x16xf32> to vector<16xf32>
        %swap3A_315 = vector.shape_cast %mul3A_309 : vector<16xf32> to vector<1x1x16xf32>
        tpu.vector_store %arg13[%swap3A_310, %swap3A_311, %swap3A_312], %swap3A_315 {strides = array<i32>} : memref<3x64x64xf32, #tpu.memory_space<vmem>>, vector<1x1x16xf32>,
        %mul3A_316 = vector.broadcast %squeeze3A : f32 to vector<16xf32>
        %mul3A_317 = arith.mulf %bitcast_convert_type3A_307, %mul3A_316 : vector<16xf32>
        %swap3A_318 = arith.index_cast %select_n3A_214 : i32 to index
        %swap3A_319 = arith.index_cast %add3A_270 : i32 to index
        %swap3A_320 = arith.constant 48 : index
        %swap3A_321 = tpu.vector_load %arg13[%swap3A_318, %swap3A_319, %swap3A_320] {strides = array<i32>} : memref<3x64x64xf32, #tpu.memory_space<vmem>>, vector<1x1x16xf32>,
        %swap3A_322 = vector.shape_cast %swap3A_321 : vector<1x1x16xf32> to vector<16xf32>
        %swap3A_323 = vector.shape_cast %mul3A_317 : vector<16xf32> to vector<1x1x16xf32>
        tpu.vector_store %arg13[%swap3A_318, %swap3A_319, %swap3A_320], %swap3A_323 {strides = array<i32>} : memref<3x64x64xf32, #tpu.memory_space<vmem>>, vector<1x1x16xf32>,
        %mul3A_324 = arith.constant 16 : i32
        %mul3A_325 = arith.muli %add3A_261, %mul3A_324 : i32
        %add3A_326 = arith.constant 1 : i32
        %add3A_327 = arith.addi %mul3A_325, %add3A_326 : i32
        %slice3A_328 = vector.extract_strided_slice %get3A_266 {offsets = [1], sizes = [1], strides = [1]} : vector<16xf32> to vector<1xf32>
        %squeeze3A_329 = vector.extract %slice3A_328[0] : f32 from vector<1xf32>
        %get3A_330 = arith.index_cast %select_n3A_198 : i32 to index
        %get3A_331 = arith.index_cast %add3A_327 : i32 to index
        %get3A_332 = arith.constant 0 : index
        %get3A_333 = tpu.vector_load %arg12[%get3A_330, %get3A_331, %get3A_332] {strides = array<i32>} : memref<6x64x32xi32, #tpu.memory_space<vmem>>, vector<1x1x16xi32>,
        %get3A_334 = vector.shape_cast %get3A_333 : vector<1x1x16xi32> to vector<16xi32>
        %shift_left3A_335 = arith.constant 16 : i32
        %shift_left3A_336 = vector.broadcast %shift_left3A_335 : i32 to vector<16xi32>
        %shift_left3A_337 = arith.shli %get3A_334, %shift_left3A_336 : vector<16xi32>
        %bitcast_convert_type3A_338 = tpu.bitcast %shift_left3A_337 : vector<16xi32> -> vector<16xf32>
        %and3A_339 = vector.broadcast %scan3A_241 : i32 to vector<16xi32>
        %and3A_340 = arith.andi %get3A_334, %and3A_339 : vector<16xi32>
        %bitcast_convert_type3A_341 = tpu.bitcast %and3A_340 : vector<16xi32> -> vector<16xf32>
        %mul3A_342 = vector.broadcast %squeeze3A_329 : f32 to vector<16xf32>
        %mul3A_343 = arith.mulf %bitcast_convert_type3A_338, %mul3A_342 : vector<16xf32>
        %swap3A_344 = arith.index_cast %select_n3A_214 : i32 to index
        %swap3A_345 = arith.index_cast %add3A_327 : i32 to index
        %swap3A_346 = arith.constant 0 : index
        %swap3A_347 = tpu.vector_load %arg13[%swap3A_344, %swap3A_345, %swap3A_346] {strides = array<i32>} : memref<3x64x64xf32, #tpu.memory_space<vmem>>, vector<1x1x16xf32>,
        %swap3A_348 = vector.shape_cast %swap3A_347 : vector<1x1x16xf32> to vector<16xf32>
        %swap3A_349 = vector.shape_cast %mul3A_343 : vector<16xf32> to vector<1x1x16xf32>
        tpu.vector_store %arg13[%swap3A_344, %swap3A_345, %swap3A_346], %swap3A_349 {strides = array<i32>} : memref<3x64x64xf32, #tpu.memory_space<vmem>>, vector<1x1x16xf32>,
        %mul3A_350 = vector.broadcast %squeeze3A_329 : f32 to vector<16xf32>
        %mul3A_351 = arith.mulf %bitcast_convert_type3A_341, %mul3A_350 : vector<16xf32>
        %swap3A_352 = arith.index_cast %select_n3A_214 : i32 to index
        %swap3A_353 = arith.index_cast %add3A_327 : i32 to index
        %swap3A_354 = arith.constant 16 : index
        %swap3A_355 = tpu.vector_load %arg13[%swap3A_352, %swap3A_353, %swap3A_354] {strides = array<i32>} : memref<3x64x64xf32, #tpu.memory_space<vmem>>, vector<1x1x16xf32>,
        %swap3A_356 = vector.shape_cast %swap3A_355 : vector<1x1x16xf32> to vector<16xf32>
        %swap3A_357 = vector.shape_cast %mul3A_351 : vector<16xf32> to vector<1x1x16xf32>
        tpu.vector_store %arg13[%swap3A_352, %swap3A_353, %swap3A_354], %swap3A_357 {strides = array<i32>} : memref<3x64x64xf32, #tpu.memory_space<vmem>>, vector<1x1x16xf32>,
        %get3A_358 = arith.index_cast %select_n3A_198 : i32 to index
        %get3A_359 = arith.index_cast %add3A_327 : i32 to index
        %get3A_360 = arith.constant 16 : index
        %get3A_361 = tpu.vector_load %arg12[%get3A_358, %get3A_359, %get3A_360] {strides = array<i32>} : memref<6x64x32xi32, #tpu.memory_space<vmem>>, vector<1x1x16xi32>,
        %get3A_362 = vector.shape_cast %get3A_361 : vector<1x1x16xi32> to vector<16xi32>
        %shift_left3A_363 = arith.constant 16 : i32
        %shift_left3A_364 = vector.broadcast %shift_left3A_363 : i32 to vector<16xi32>
        %shift_left3A_365 = arith.shli %get3A_362, %shift_left3A_364 : vector<16xi32>
        %bitcast_convert_type3A_366 = tpu.bitcast %shift_left3A_365 : vector<16xi32> -> vector<16xf32>
        %and3A_367 = vector.broadcast %scan3A_241 : i32 to vector<16xi32>
        %and3A_368 = arith.andi %get3A_362, %and3A_367 : vector<16xi32>
        %bitcast_convert_type3A_369 = tpu.bitcast %and3A_368 : vector<16xi32> -> vector<16xf32>
        %mul3A_370 = vector.broadcast %squeeze3A_329 : f32 to vector<16xf32>
        %mul3A_371 = arith.mulf %bitcast_convert_type3A_366, %mul3A_370 : vector<16xf32>
        %swap3A_372 = arith.index_cast %select_n3A_214 : i32 to index
        %swap3A_373 = arith.index_cast %add3A_327 : i32 to index
        %swap3A_374 = arith.constant 32 : index
        %swap3A_375 = tpu.vector_load %arg13[%swap3A_372, %swap3A_373, %swap3A_374] {strides = array<i32>} : memref<3x64x64xf32, #tpu.memory_space<vmem>>, vector<1x1x16xf32>,
        %swap3A_376 = vector.shape_cast %swap3A_375 : vector<1x1x16xf32> to vector<16xf32>
        %swap3A_377 = vector.shape_cast %mul3A_371 : vector<16xf32> to vector<1x1x16xf32>
        tpu.vector_store %arg13[%swap3A_372, %swap3A_373, %swap3A_374], %swap3A_377 {strides = array<i32>} : memref<3x64x64xf32, #tpu.memory_space<vmem>>, vector<1x1x16xf32>,
        %mul3A_378 = vector.broadcast %squeeze3A_329 : f32 to vector<16xf32>
        %mul3A_379 = arith.mulf %bitcast_convert_type3A_369, %mul3A_378 : vector<16xf32>
        %swap3A_380 = arith.index_cast %select_n3A_214 : i32 to index
        %swap3A_381 = arith.index_cast %add3A_327 : i32 to index
        %swap3A_382 = arith.constant 48 : index
        %swap3A_383 = tpu.vector_load %arg13[%swap3A_380, %swap3A_381, %swap3A_382] {strides = array<i32>} : memref<3x64x64xf32, #tpu.memory_space<vmem>>, vector<1x1x16xf32>,
        %swap3A_384 = vector.shape_cast %swap3A_383 : vector<1x1x16xf32> to vector<16xf32>
        %swap3A_385 = vector.shape_cast %mul3A_379 : vector<16xf32> to vector<1x1x16xf32>
        tpu.vector_store %arg13[%swap3A_380, %swap3A_381, %swap3A_382], %swap3A_385 {strides = array<i32>} : memref<3x64x64xf32, #tpu.memory_space<vmem>>, vector<1x1x16xf32>,
        %mul3A_386 = arith.constant 16 : i32
        %mul3A_387 = arith.muli %add3A_261, %mul3A_386 : i32
        %add3A_388 = arith.constant 2 : i32
        %add3A_389 = arith.addi %mul3A_387, %add3A_388 : i32
        %slice3A_390 = vector.extract_strided_slice %get3A_266 {offsets = [2], sizes = [1], strides = [1]} : vector<16xf32> to vector<1xf32>
        %squeeze3A_391 = vector.extract %slice3A_390[0] : f32 from vector<1xf32>
        %get3A_392 = arith.index_cast %select_n3A_198 : i32 to index
        %get3A_393 = arith.index_cast %add3A_389 : i32 to index
        %get3A_394 = arith.constant 0 : index
        %get3A_395 = tpu.vector_load %arg12[%get3A_392, %get3A_393, %get3A_394] {strides = array<i32>} : memref<6x64x32xi32, #tpu.memory_space<vmem>>, vector<1x1x16xi32>,
        %get3A_396 = vector.shape_cast %get3A_395 : vector<1x1x16xi32> to vector<16xi32>
        %shift_left3A_397 = arith.constant 16 : i32
        %shift_left3A_398 = vector.broadcast %shift_left3A_397 : i32 to vector<16xi32>
        %shift_left3A_399 = arith.shli %get3A_396, %shift_left3A_398 : vector<16xi32>
        %bitcast_convert_type3A_400 = tpu.bitcast %shift_left3A_399 : vector<16xi32> -> vector<16xf32>
        %and3A_401 = vector.broadcast %scan3A_241 : i32 to vector<16xi32>
        %and3A_402 = arith.andi %get3A_396, %and3A_401 : vector<16xi32>
        %bitcast_convert_type3A_403 = tpu.bitcast %and3A_402 : vector<16xi32> -> vector<16xf32>
        %mul3A_404 = vector.broadcast %squeeze3A_391 : f32 to vector<16xf32>
        %mul3A_405 = arith.mulf %bitcast_convert_type3A_400, %mul3A_404 : vector<16xf32>
        %swap3A_406 = arith.index_cast %select_n3A_214 : i32 to index
        %swap3A_407 = arith.index_cast %add3A_389 : i32 to index
        %swap3A_408 = arith.constant 0 : index
        %swap3A_409 = tpu.vector_load %arg13[%swap3A_406, %swap3A_407, %swap3A_408] {strides = array<i32>} : memref<3x64x64xf32, #tpu.memory_space<vmem>>, vector<1x1x16xf32>,
        %swap3A_410 = vector.shape_cast %swap3A_409 : vector<1x1x16xf32> to vector<16xf32>
        %swap3A_411 = vector.shape_cast %mul3A_405 : vector<16xf32> to vector<1x1x16xf32>
        tpu.vector_store %arg13[%swap3A_406, %swap3A_407, %swap3A_408], %swap3A_411 {strides = array<i32>} : memref<3x64x64xf32, #tpu.memory_space<vmem>>, vector<1x1x16xf32>,
        %mul3A_412 = vector.broadcast %squeeze3A_391 : f32 to vector<16xf32>
        %mul3A_413 = arith.mulf %bitcast_convert_type3A_403, %mul3A_412 : vector<16xf32>
        %swap3A_414 = arith.index_cast %select_n3A_214 : i32 to index
        %swap3A_415 = arith.index_cast %add3A_389 : i32 to index
        %swap3A_416 = arith.constant 16 : index
        %swap3A_417 = tpu.vector_load %arg13[%swap3A_414, %swap3A_415, %swap3A_416] {strides = array<i32>} : memref<3x64x64xf32, #tpu.memory_space<vmem>>, vector<1x1x16xf32>,
        %swap3A_418 = vector.shape_cast %swap3A_417 : vector<1x1x16xf32> to vector<16xf32>
        %swap3A_419 = vector.shape_cast %mul3A_413 : vector<16xf32> to vector<1x1x16xf32>
        tpu.vector_store %arg13[%swap3A_414, %swap3A_415, %swap3A_416], %swap3A_419 {strides = array<i32>} : memref<3x64x64xf32, #tpu.memory_space<vmem>>, vector<1x1x16xf32>,
        %get3A_420 = arith.index_cast %select_n3A_198 : i32 to index
        %get3A_421 = arith.index_cast %add3A_389 : i32 to index
        %get3A_422 = arith.constant 16 : index
        %get3A_423 = tpu.vector_load %arg12[%get3A_420, %get3A_421, %get3A_422] {strides = array<i32>} : memref<6x64x32xi32, #tpu.memory_space<vmem>>, vector<1x1x16xi32>,
        %get3A_424 = vector.shape_cast %get3A_423 : vector<1x1x16xi32> to vector<16xi32>
        %shift_left3A_425 = arith.constant 16 : i32
        %shift_left3A_426 = vector.broadcast %shift_left3A_425 : i32 to vector<16xi32>
        %shift_left3A_427 = arith.shli %get3A_424, %shift_left3A_426 : vector<16xi32>
        %bitcast_convert_type3A_428 = tpu.bitcast %shift_left3A_427 : vector<16xi32> -> vector<16xf32>
        %and3A_429 = vector.broadcast %scan3A_241 : i32 to vector<16xi32>
        %and3A_430 = arith.andi %get3A_424, %and3A_429 : vector<16xi32>
        %bitcast_convert_type3A_431 = tpu.bitcast %and3A_430 : vector<16xi32> -> vector<16xf32>
        %mul3A_432 = vector.broadcast %squeeze3A_391 : f32 to vector<16xf32>
        %mul3A_433 = arith.mulf %bitcast_convert_type3A_428, %mul3A_432 : vector<16xf32>
        %swap3A_434 = arith.index_cast %select_n3A_214 : i32 to index
        %swap3A_435 = arith.index_cast %add3A_389 : i32 to index
        %swap3A_436 = arith.constant 32 : index
        %swap3A_437 = tpu.vector_load %arg13[%swap3A_434, %swap3A_435, %swap3A_436] {strides = array<i32>} : memref<3x64x64xf32, #tpu.memory_space<vmem>>, vector<1x1x16xf32>,
        %swap3A_438 = vector.shape_cast %swap3A_437 : vector<1x1x16xf32> to vector<16xf32>
        %swap3A_439 = vector.shape_cast %mul3A_433 : vector<16xf32> to vector<1x1x16xf32>
        tpu.vector_store %arg13[%swap3A_434, %swap3A_435, %swap3A_436], %swap3A_439 {strides = array<i32>} : memref<3x64x64xf32, #tpu.memory_space<vmem>>, vector<1x1x16xf32>,
        %mul3A_440 = vector.broadcast %squeeze3A_391 : f32 to vector<16xf32>
        %mul3A_441 = arith.mulf %bitcast_convert_type3A_431, %mul3A_440 : vector<16xf32>
        %swap3A_442 = arith.index_cast %select_n3A_214 : i32 to index
        %swap3A_443 = arith.index_cast %add3A_389 : i32 to index
        %swap3A_444 = arith.constant 48 : index
        %swap3A_445 = tpu.vector_load %arg13[%swap3A_442, %swap3A_443, %swap3A_444] {strides = array<i32>} : memref<3x64x64xf32, #tpu.memory_space<vmem>>, vector<1x1x16xf32>,
        %swap3A_446 = vector.shape_cast %swap3A_445 : vector<1x1x16xf32> to vector<16xf32>
        %swap3A_447 = vector.shape_cast %mul3A_441 : vector<16xf32> to vector<1x1x16xf32>
        tpu.vector_store %arg13[%swap3A_442, %swap3A_443, %swap3A_444], %swap3A_447 {strides = array<i32>} : memref<3x64x64xf32, #tpu.memory_space<vmem>>, vector<1x1x16xf32>,
        %mul3A_448 = arith.constant 16 : i32
        %mul3A_449 = arith.muli %add3A_261, %mul3A_448 : i32
        %add3A_450 = arith.constant 3 : i32
        %add3A_451 = arith.addi %mul3A_449, %add3A_450 : i32
        %slice3A_452 = vector.extract_strided_slice %get3A_266 {offsets = [3], sizes = [1], strides = [1]} : vector<16xf32> to vector<1xf32>
        %squeeze3A_453 = vector.extract %slice3A_452[0] : f32 from vector<1xf32>
        %get3A_454 = arith.index_cast %select_n3A_198 : i32 to index
        %get3A_455 = arith.index_cast %add3A_451 : i32 to index
        %get3A_456 = arith.constant 0 : index
        %get3A_457 = tpu.vector_load %arg12[%get3A_454, %get3A_455, %get3A_456] {strides = array<i32>} : memref<6x64x32xi32, #tpu.memory_space<vmem>>, vector<1x1x16xi32>,
        %get3A_458 = vector.shape_cast %get3A_457 : vector<1x1x16xi32> to vector<16xi32>
        %shift_left3A_459 = arith.constant 16 : i32
        %shift_left3A_460 = vector.broadcast %shift_left3A_459 : i32 to vector<16xi32>
        %shift_left3A_461 = arith.shli %get3A_458, %shift_left3A_460 : vector<16xi32>
        %bitcast_convert_type3A_462 = tpu.bitcast %shift_left3A_461 : vector<16xi32> -> vector<16xf32>
        %and3A_463 = vector.broadcast %scan3A_241 : i32 to vector<16xi32>
        %and3A_464 = arith.andi %get3A_458, %and3A_463 : vector<16xi32>
        %bitcast_convert_type3A_465 = tpu.bitcast %and3A_464 : vector<16xi32> -> vector<16xf32>
        %mul3A_466 = vector.broadcast %squeeze3A_453 : f32 to vector<16xf32>
        %mul3A_467 = arith.mulf %bitcast_convert_type3A_462, %mul3A_466 : vector<16xf32>
        %swap3A_468 = arith.index_cast %select_n3A_214 : i32 to index
        %swap3A_469 = arith.index_cast %add3A_451 : i32 to index
        %swap3A_470 = arith.constant 0 : index
        %swap3A_471 = tpu.vector_load %arg13[%swap3A_468, %swap3A_469, %swap3A_470] {strides = array<i32>} : memref<3x64x64xf32, #tpu.memory_space<vmem>>, vector<1x1x16xf32>,
        %swap3A_472 = vector.shape_cast %swap3A_471 : vector<1x1x16xf32> to vector<16xf32>
        %swap3A_473 = vector.shape_cast %mul3A_467 : vector<16xf32> to vector<1x1x16xf32>
        tpu.vector_store %arg13[%swap3A_468, %swap3A_469, %swap3A_470], %swap3A_473 {strides = array<i32>} : memref<3x64x64xf32, #tpu.memory_space<vmem>>, vector<1x1x16xf32>,
        %mul3A_474 = vector.broadcast %squeeze3A_453 : f32 to vector<16xf32>
        %mul3A_475 = arith.mulf %bitcast_convert_type3A_465, %mul3A_474 : vector<16xf32>
        %swap3A_476 = arith.index_cast %select_n3A_214 : i32 to index
        %swap3A_477 = arith.index_cast %add3A_451 : i32 to index
        %swap3A_478 = arith.constant 16 : index
        %swap3A_479 = tpu.vector_load %arg13[%swap3A_476, %swap3A_477, %swap3A_478] {strides = array<i32>} : memref<3x64x64xf32, #tpu.memory_space<vmem>>, vector<1x1x16xf32>,
        %swap3A_480 = vector.shape_cast %swap3A_479 : vector<1x1x16xf32> to vector<16xf32>
        %swap3A_481 = vector.shape_cast %mul3A_475 : vector<16xf32> to vector<1x1x16xf32>
        tpu.vector_store %arg13[%swap3A_476, %swap3A_477, %swap3A_478], %swap3A_481 {strides = array<i32>} : memref<3x64x64xf32, #tpu.memory_space<vmem>>, vector<1x1x16xf32>,
        %get3A_482 = arith.index_cast %select_n3A_198 : i32 to index
        %get3A_483 = arith.index_cast %add3A_451 : i32 to index
        %get3A_484 = arith.constant 16 : index
        %get3A_485 = tpu.vector_load %arg12[%get3A_482, %get3A_483, %get3A_484] {strides = array<i32>} : memref<6x64x32xi32, #tpu.memory_space<vmem>>, vector<1x1x16xi32>,
        %get3A_486 = vector.shape_cast %get3A_485 : vector<1x1x16xi32> to vector<16xi32>
        %shift_left3A_487 = arith.constant 16 : i32
        %shift_left3A_488 = vector.broadcast %shift_left3A_487 : i32 to vector<16xi32>
        %shift_left3A_489 = arith.shli %get3A_486, %shift_left3A_488 : vector<16xi32>
        %bitcast_convert_type3A_490 = tpu.bitcast %shift_left3A_489 : vector<16xi32> -> vector<16xf32>
        %and3A_491 = vector.broadcast %scan3A_241 : i32 to vector<16xi32>
        %and3A_492 = arith.andi %get3A_486, %and3A_491 : vector<16xi32>
        %bitcast_convert_type3A_493 = tpu.bitcast %and3A_492 : vector<16xi32> -> vector<16xf32>
        %mul3A_494 = vector.broadcast %squeeze3A_453 : f32 to vector<16xf32>
        %mul3A_495 = arith.mulf %bitcast_convert_type3A_490, %mul3A_494 : vector<16xf32>
        %swap3A_496 = arith.index_cast %select_n3A_214 : i32 to index
        %swap3A_497 = arith.index_cast %add3A_451 : i32 to index
        %swap3A_498 = arith.constant 32 : index
        %swap3A_499 = tpu.vector_load %arg13[%swap3A_496, %swap3A_497, %swap3A_498] {strides = array<i32>} : memref<3x64x64xf32, #tpu.memory_space<vmem>>, vector<1x1x16xf32>,
        %swap3A_500 = vector.shape_cast %swap3A_499 : vector<1x1x16xf32> to vector<16xf32>
        %swap3A_501 = vector.shape_cast %mul3A_495 : vector<16xf32> to vector<1x1x16xf32>
        tpu.vector_store %arg13[%swap3A_496, %swap3A_497, %swap3A_498], %swap3A_501 {strides = array<i32>} : memref<3x64x64xf32, #tpu.memory_space<vmem>>, vector<1x1x16xf32>,
        %mul3A_502 = vector.broadcast %squeeze3A_453 : f32 to vector<16xf32>
        %mul3A_503 = arith.mulf %bitcast_convert_type3A_493, %mul3A_502 : vector<16xf32>
        %swap3A_504 = arith.index_cast %select_n3A_214 : i32 to index
        %swap3A_505 = arith.index_cast %add3A_451 : i32 to index
        %swap3A_506 = arith.constant 48 : index
        %swap3A_507 = tpu.vector_load %arg13[%swap3A_504, %swap3A_505, %swap3A_506] {strides = array<i32>} : memref<3x64x64xf32, #tpu.memory_space<vmem>>, vector<1x1x16xf32>,
        %swap3A_508 = vector.shape_cast %swap3A_507 : vector<1x1x16xf32> to vector<16xf32>
        %swap3A_509 = vector.shape_cast %mul3A_503 : vector<16xf32> to vector<1x1x16xf32>
        tpu.vector_store %arg13[%swap3A_504, %swap3A_505, %swap3A_506], %swap3A_509 {strides = array<i32>} : memref<3x64x64xf32, #tpu.memory_space<vmem>>, vector<1x1x16xf32>,
        %mul3A_510 = arith.constant 16 : i32
        %mul3A_511 = arith.muli %add3A_261, %mul3A_510 : i32
        %add3A_512 = arith.constant 4 : i32
        %add3A_513 = arith.addi %mul3A_511, %add3A_512 : i32
        %slice3A_514 = vector.extract_strided_slice %get3A_266 {offsets = [4], sizes = [1], strides = [1]} : vector<16xf32> to vector<1xf32>
        %squeeze3A_515 = vector.extract %slice3A_514[0] : f32 from vector<1xf32>
        %get3A_516 = arith.index_cast %select_n3A_198 : i32 to index
        %get3A_517 = arith.index_cast %add3A_513 : i32 to index
        %get3A_518 = arith.constant 0 : index
        %get3A_519 = tpu.vector_load %arg12[%get3A_516, %get3A_517, %get3A_518] {strides = array<i32>} : memref<6x64x32xi32, #tpu.memory_space<vmem>>, vector<1x1x16xi32>,
        %get3A_520 = vector.shape_cast %get3A_519 : vector<1x1x16xi32> to vector<16xi32>
        %shift_left3A_521 = arith.constant 16 : i32
        %shift_left3A_522 = vector.broadcast %shift_left3A_521 : i32 to vector<16xi32>
        %shift_left3A_523 = arith.shli %get3A_520, %shift_left3A_522 : vector<16xi32>
        %bitcast_convert_type3A_524 = tpu.bitcast %shift_left3A_523 : vector<16xi32> -> vector<16xf32>
        %and3A_525 = vector.broadcast %scan3A_241 : i32 to vector<16xi32>
        %and3A_526 = arith.andi %get3A_520, %and3A_525 : vector<16xi32>
        %bitcast_convert_type3A_527 = tpu.bitcast %and3A_526 : vector<16xi32> -> vector<16xf32>
        %mul3A_528 = vector.broadcast %squeeze3A_515 : f32 to vector<16xf32>
        %mul3A_529 = arith.mulf %bitcast_convert_type3A_524, %mul3A_528 : vector<16xf32>
        %swap3A_530 = arith.index_cast %select_n3A_214 : i32 to index
        %swap3A_531 = arith.index_cast %add3A_513 : i32 to index
        %swap3A_532 = arith.constant 0 : index
        %swap3A_533 = tpu.vector_load %arg13[%swap3A_530, %swap3A_531, %swap3A_532] {strides = array<i32>} : memref<3x64x64xf32, #tpu.memory_space<vmem>>, vector<1x1x16xf32>,
        %swap3A_534 = vector.shape_cast %swap3A_533 : vector<1x1x16xf32> to vector<16xf32>
        %swap3A_535 = vector.shape_cast %mul3A_529 : vector<16xf32> to vector<1x1x16xf32>
        tpu.vector_store %arg13[%swap3A_530, %swap3A_531, %swap3A_532], %swap3A_535 {strides = array<i32>} : memref<3x64x64xf32, #tpu.memory_space<vmem>>, vector<1x1x16xf32>,
        %mul3A_536 = vector.broadcast %squeeze3A_515 : f32 to vector<16xf32>
        %mul3A_537 = arith.mulf %bitcast_convert_type3A_527, %mul3A_536 : vector<16xf32>
        %swap3A_538 = arith.index_cast %select_n3A_214 : i32 to index
        %swap3A_539 = arith.index_cast %add3A_513 : i32 to index
        %swap3A_540 = arith.constant 16 : index
        %swap3A_541 = tpu.vector_load %arg13[%swap3A_538, %swap3A_539, %swap3A_540] {strides = array<i32>} : memref<3x64x64xf32, #tpu.memory_space<vmem>>, vector<1x1x16xf32>,
        %swap3A_542 = vector.shape_cast %swap3A_541 : vector<1x1x16xf32> to vector<16xf32>
        %swap3A_543 = vector.shape_cast %mul3A_537 : vector<16xf32> to vector<1x1x16xf32>
        tpu.vector_store %arg13[%swap3A_538, %swap3A_539, %swap3A_540], %swap3A_543 {strides = array<i32>} : memref<3x64x64xf32, #tpu.memory_space<vmem>>, vector<1x1x16xf32>,
        %get3A_544 = arith.index_cast %select_n3A_198 : i32 to index
        %get3A_545 = arith.index_cast %add3A_513 : i32 to index
        %get3A_546 = arith.constant 16 : index
        %get3A_547 = tpu.vector_load %arg12[%get3A_544, %get3A_545, %get3A_546] {strides = array<i32>} : memref<6x64x32xi32, #tpu.memory_space<vmem>>, vector<1x1x16xi32>,
        %get3A_548 = vector.shape_cast %get3A_547 : vector<1x1x16xi32> to vector<16xi32>
        %shift_left3A_549 = arith.constant 16 : i32
        %shift_left3A_550 = vector.broadcast %shift_left3A_549 : i32 to vector<16xi32>
        %shift_left3A_551 = arith.shli %get3A_548, %shift_left3A_550 : vector<16xi32>
        %bitcast_convert_type3A_552 = tpu.bitcast %shift_left3A_551 : vector<16xi32> -> vector<16xf32>
        %and3A_553 = vector.broadcast %scan3A_241 : i32 to vector<16xi32>
        %and3A_554 = arith.andi %get3A_548, %and3A_553 : vector<16xi32>
        %bitcast_convert_type3A_555 = tpu.bitcast %and3A_554 : vector<16xi32> -> vector<16xf32>
        %mul3A_556 = vector.broadcast %squeeze3A_515 : f32 to vector<16xf32>
        %mul3A_557 = arith.mulf %bitcast_convert_type3A_552, %mul3A_556 : vector<16xf32>
        %swap3A_558 = arith.index_cast %select_n3A_214 : i32 to index
        %swap3A_559 = arith.index_cast %add3A_513 : i32 to index
        %swap3A_560 = arith.constant 32 : index
        %swap3A_561 = tpu.vector_load %arg13[%swap3A_558, %swap3A_559, %swap3A_560] {strides = array<i32>} : memref<3x64x64xf32, #tpu.memory_space<vmem>>, vector<1x1x16xf32>,
        %swap3A_562 = vector.shape_cast %swap3A_561 : vector<1x1x16xf32> to vector<16xf32>
        %swap3A_563 = vector.shape_cast %mul3A_557 : vector<16xf32> to vector<1x1x16xf32>
        tpu.vector_store %arg13[%swap3A_558, %swap3A_559, %swap3A_560], %swap3A_563 {strides = array<i32>} : memref<3x64x64xf32, #tpu.memory_space<vmem>>, vector<1x1x16xf32>,
        %mul3A_564 = vector.broadcast %squeeze3A_515 : f32 to vector<16xf32>
        %mul3A_565 = arith.mulf %bitcast_convert_type3A_555, %mul3A_564 : vector<16xf32>
        %swap3A_566 = arith.index_cast %select_n3A_214 : i32 to index
        %swap3A_567 = arith.index_cast %add3A_513 : i32 to index
        %swap3A_568 = arith.constant 48 : index
        %swap3A_569 = tpu.vector_load %arg13[%swap3A_566, %swap3A_567, %swap3A_568] {strides = array<i32>} : memref<3x64x64xf32, #tpu.memory_space<vmem>>, vector<1x1x16xf32>,
        %swap3A_570 = vector.shape_cast %swap3A_569 : vector<1x1x16xf32> to vector<16xf32>
        %swap3A_571 = vector.shape_cast %mul3A_565 : vector<16xf32> to vector<1x1x16xf32>
        tpu.vector_store %arg13[%swap3A_566, %swap3A_567, %swap3A_568], %swap3A_571 {strides = array<i32>} : memref<3x64x64xf32, #tpu.memory_space<vmem>>, vector<1x1x16xf32>,
        %mul3A_572 = arith.constant 16 : i32
        %mul3A_573 = arith.muli %add3A_261, %mul3A_572 : i32
        %add3A_574 = arith.constant 5 : i32
        %add3A_575 = arith.addi %mul3A_573, %add3A_574 : i32
        %slice3A_576 = vector.extract_strided_slice %get3A_266 {offsets = [5], sizes = [1], strides = [1]} : vector<16xf32> to vector<1xf32>
        %squeeze3A_577 = vector.extract %slice3A_576[0] : f32 from vector<1xf32>
        %get3A_578 = arith.index_cast %select_n3A_198 : i32 to index
        %get3A_579 = arith.index_cast %add3A_575 : i32 to index
        %get3A_580 = arith.constant 0 : index
        %get3A_581 = tpu.vector_load %arg12[%get3A_578, %get3A_579, %get3A_580] {strides = array<i32>} : memref<6x64x32xi32, #tpu.memory_space<vmem>>, vector<1x1x16xi32>,
        %get3A_582 = vector.shape_cast %get3A_581 : vector<1x1x16xi32> to vector<16xi32>
        %shift_left3A_583 = arith.constant 16 : i32
        %shift_left3A_584 = vector.broadcast %shift_left3A_583 : i32 to vector<16xi32>
        %shift_left3A_585 = arith.shli %get3A_582, %shift_left3A_584 : vector<16xi32>
        %bitcast_convert_type3A_586 = tpu.bitcast %shift_left3A_585 : vector<16xi32> -> vector<16xf32>
        %and3A_587 = vector.broadcast %scan3A_241 : i32 to vector<16xi32>
        %and3A_588 = arith.andi %get3A_582, %and3A_587 : vector<16xi32>
        %bitcast_convert_type3A_589 = tpu.bitcast %and3A_588 : vector<16xi32> -> vector<16xf32>
        %mul3A_590 = vector.broadcast %squeeze3A_577 : f32 to vector<16xf32>
        %mul3A_591 = arith.mulf %bitcast_convert_type3A_586, %mul3A_590 : vector<16xf32>
        %swap3A_592 = arith.index_cast %select_n3A_214 : i32 to index
        %swap3A_593 = arith.index_cast %add3A_575 : i32 to index
        %swap3A_594 = arith.constant 0 : index
        %swap3A_595 = tpu.vector_load %arg13[%swap3A_592, %swap3A_593, %swap3A_594] {strides = array<i32>} : memref<3x64x64xf32, #tpu.memory_space<vmem>>, vector<1x1x16xf32>,
        %swap3A_596 = vector.shape_cast %swap3A_595 : vector<1x1x16xf32> to vector<16xf32>
        %swap3A_597 = vector.shape_cast %mul3A_591 : vector<16xf32> to vector<1x1x16xf32>
        tpu.vector_store %arg13[%swap3A_592, %swap3A_593, %swap3A_594], %swap3A_597 {strides = array<i32>} : memref<3x64x64xf32, #tpu.memory_space<vmem>>, vector<1x1x16xf32>,
        %mul3A_598 = vector.broadcast %squeeze3A_577 : f32 to vector<16xf32>
        %mul3A_599 = arith.mulf %bitcast_convert_type3A_589, %mul3A_598 : vector<16xf32>
        %swap3A_600 = arith.index_cast %select_n3A_214 : i32 to index
        %swap3A_601 = arith.index_cast %add3A_575 : i32 to index
        %swap3A_602 = arith.constant 16 : index
        %swap3A_603 = tpu.vector_load %arg13[%swap3A_600, %swap3A_601, %swap3A_602] {strides = array<i32>} : memref<3x64x64xf32, #tpu.memory_space<vmem>>, vector<1x1x16xf32>,
        %swap3A_604 = vector.shape_cast %swap3A_603 : vector<1x1x16xf32> to vector<16xf32>
        %swap3A_605 = vector.shape_cast %mul3A_599 : vector<16xf32> to vector<1x1x16xf32>
        tpu.vector_store %arg13[%swap3A_600, %swap3A_601, %swap3A_602], %swap3A_605 {strides = array<i32>} : memref<3x64x64xf32, #tpu.memory_space<vmem>>, vector<1x1x16xf32>,
        %get3A_606 = arith.index_cast %select_n3A_198 : i32 to index
        %get3A_607 = arith.index_cast %add3A_575 : i32 to index
        %get3A_608 = arith.constant 16 : index
        %get3A_609 = tpu.vector_load %arg12[%get3A_606, %get3A_607, %get3A_608] {strides = array<i32>} : memref<6x64x32xi32, #tpu.memory_space<vmem>>, vector<1x1x16xi32>,
        %get3A_610 = vector.shape_cast %get3A_609 : vector<1x1x16xi32> to vector<16xi32>
        %shift_left3A_611 = arith.constant 16 : i32
        %shift_left3A_612 = vector.broadcast %shift_left3A_611 : i32 to vector<16xi32>
        %shift_left3A_613 = arith.shli %get3A_610, %shift_left3A_612 : vector<16xi32>
        %bitcast_convert_type3A_614 = tpu.bitcast %shift_left3A_613 : vector<16xi32> -> vector<16xf32>
        %and3A_615 = vector.broadcast %scan3A_241 : i32 to vector<16xi32>
        %and3A_616 = arith.andi %get3A_610, %and3A_615 : vector<16xi32>
        %bitcast_convert_type3A_617 = tpu.bitcast %and3A_616 : vector<16xi32> -> vector<16xf32>
        %mul3A_618 = vector.broadcast %squeeze3A_577 : f32 to vector<16xf32>
        %mul3A_619 = arith.mulf %bitcast_convert_type3A_614, %mul3A_618 : vector<16xf32>
        %swap3A_620 = arith.index_cast %select_n3A_214 : i32 to index
        %swap3A_621 = arith.index_cast %add3A_575 : i32 to index
        %swap3A_622 = arith.constant 32 : index
        %swap3A_623 = tpu.vector_load %arg13[%swap3A_620, %swap3A_621, %swap3A_622] {strides = array<i32>} : memref<3x64x64xf32, #tpu.memory_space<vmem>>, vector<1x1x16xf32>,
        %swap3A_624 = vector.shape_cast %swap3A_623 : vector<1x1x16xf32> to vector<16xf32>
        %swap3A_625 = vector.shape_cast %mul3A_619 : vector<16xf32> to vector<1x1x16xf32>
        tpu.vector_store %arg13[%swap3A_620, %swap3A_621, %swap3A_622], %swap3A_625 {strides = array<i32>} : memref<3x64x64xf32, #tpu.memory_space<vmem>>, vector<1x1x16xf32>,
        %mul3A_626 = vector.broadcast %squeeze3A_577 : f32 to vector<16xf32>
        %mul3A_627 = arith.mulf %bitcast_convert_type3A_617, %mul3A_626 : vector<16xf32>
        %swap3A_628 = arith.index_cast %select_n3A_214 : i32 to index
        %swap3A_629 = arith.index_cast %add3A_575 : i32 to index
        %swap3A_630 = arith.constant 48 : index
        %swap3A_631 = tpu.vector_load %arg13[%swap3A_628, %swap3A_629, %swap3A_630] {strides = array<i32>} : memref<3x64x64xf32, #tpu.memory_space<vmem>>, vector<1x1x16xf32>,
        %swap3A_632 = vector.shape_cast %swap3A_631 : vector<1x1x16xf32> to vector<16xf32>
        %swap3A_633 = vector.shape_cast %mul3A_627 : vector<16xf32> to vector<1x1x16xf32>
        tpu.vector_store %arg13[%swap3A_628, %swap3A_629, %swap3A_630], %swap3A_633 {strides = array<i32>} : memref<3x64x64xf32, #tpu.memory_space<vmem>>, vector<1x1x16xf32>,
        %mul3A_634 = arith.constant 16 : i32
        %mul3A_635 = arith.muli %add3A_261, %mul3A_634 : i32
        %add3A_636 = arith.constant 6 : i32
        %add3A_637 = arith.addi %mul3A_635, %add3A_636 : i32
        %slice3A_638 = vector.extract_strided_slice %get3A_266 {offsets = [6], sizes = [1], strides = [1]} : vector<16xf32> to vector<1xf32>
        %squeeze3A_639 = vector.extract %slice3A_638[0] : f32 from vector<1xf32>
        %get3A_640 = arith.index_cast %select_n3A_198 : i32 to index
        %get3A_641 = arith.index_cast %add3A_637 : i32 to index
        %get3A_642 = arith.constant 0 : index
        %get3A_643 = tpu.vector_load %arg12[%get3A_640, %get3A_641, %get3A_642] {strides = array<i32>} : memref<6x64x32xi32, #tpu.memory_space<vmem>>, vector<1x1x16xi32>,
        %get3A_644 = vector.shape_cast %get3A_643 : vector<1x1x16xi32> to vector<16xi32>
        %shift_left3A_645 = arith.constant 16 : i32
        %shift_left3A_646 = vector.broadcast %shift_left3A_645 : i32 to vector<16xi32>
        %shift_left3A_647 = arith.shli %get3A_644, %shift_left3A_646 : vector<16xi32>
        %bitcast_convert_type3A_648 = tpu.bitcast %shift_left3A_647 : vector<16xi32> -> vector<16xf32>
        %and3A_649 = vector.broadcast %scan3A_241 : i32 to vector<16xi32>
        %and3A_650 = arith.andi %get3A_644, %and3A_649 : vector<16xi32>
        %bitcast_convert_type3A_651 = tpu.bitcast %and3A_650 : vector<16xi32> -> vector<16xf32>
        %mul3A_652 = vector.broadcast %squeeze3A_639 : f32 to vector<16xf32>
        %mul3A_653 = arith.mulf %bitcast_convert_type3A_648, %mul3A_652 : vector<16xf32>
        %swap3A_654 = arith.index_cast %select_n3A_214 : i32 to index
        %swap3A_655 = arith.index_cast %add3A_637 : i32 to index
        %swap3A_656 = arith.constant 0 : index
        %swap3A_657 = tpu.vector_load %arg13[%swap3A_654, %swap3A_655, %swap3A_656] {strides = array<i32>} : memref<3x64x64xf32, #tpu.memory_space<vmem>>, vector<1x1x16xf32>,
        %swap3A_658 = vector.shape_cast %swap3A_657 : vector<1x1x16xf32> to vector<16xf32>
        %swap3A_659 = vector.shape_cast %mul3A_653 : vector<16xf32> to vector<1x1x16xf32>
        tpu.vector_store %arg13[%swap3A_654, %swap3A_655, %swap3A_656], %swap3A_659 {strides = array<i32>} : memref<3x64x64xf32, #tpu.memory_space<vmem>>, vector<1x1x16xf32>,
        %mul3A_660 = vector.broadcast %squeeze3A_639 : f32 to vector<16xf32>
        %mul3A_661 = arith.mulf %bitcast_convert_type3A_651, %mul3A_660 : vector<16xf32>
        %swap3A_662 = arith.index_cast %select_n3A_214 : i32 to index
        %swap3A_663 = arith.index_cast %add3A_637 : i32 to index
        %swap3A_664 = arith.constant 16 : index
        %swap3A_665 = tpu.vector_load %arg13[%swap3A_662, %swap3A_663, %swap3A_664] {strides = array<i32>} : memref<3x64x64xf32, #tpu.memory_space<vmem>>, vector<1x1x16xf32>,
        %swap3A_666 = vector.shape_cast %swap3A_665 : vector<1x1x16xf32> to vector<16xf32>
        %swap3A_667 = vector.shape_cast %mul3A_661 : vector<16xf32> to vector<1x1x16xf32>
        tpu.vector_store %arg13[%swap3A_662, %swap3A_663, %swap3A_664], %swap3A_667 {strides = array<i32>} : memref<3x64x64xf32, #tpu.memory_space<vmem>>, vector<1x1x16xf32>,
        %get3A_668 = arith.index_cast %select_n3A_198 : i32 to index
        %get3A_669 = arith.index_cast %add3A_637 : i32 to index
        %get3A_670 = arith.constant 16 : index
        %get3A_671 = tpu.vector_load %arg12[%get3A_668, %get3A_669, %get3A_670] {strides = array<i32>} : memref<6x64x32xi32, #tpu.memory_space<vmem>>, vector<1x1x16xi32>,
        %get3A_672 = vector.shape_cast %get3A_671 : vector<1x1x16xi32> to vector<16xi32>
        %shift_left3A_673 = arith.constant 16 : i32
        %shift_left3A_674 = vector.broadcast %shift_left3A_673 : i32 to vector<16xi32>
        %shift_left3A_675 = arith.shli %get3A_672, %shift_left3A_674 : vector<16xi32>
        %bitcast_convert_type3A_676 = tpu.bitcast %shift_left3A_675 : vector<16xi32> -> vector<16xf32>
        %and3A_677 = vector.broadcast %scan3A_241 : i32 to vector<16xi32>
        %and3A_678 = arith.andi %get3A_672, %and3A_677 : vector<16xi32>
        %bitcast_convert_type3A_679 = tpu.bitcast %and3A_678 : vector<16xi32> -> vector<16xf32>
        %mul3A_680 = vector.broadcast %squeeze3A_639 : f32 to vector<16xf32>
        %mul3A_681 = arith.mulf %bitcast_convert_type3A_676, %mul3A_680 : vector<16xf32>
        %swap3A_682 = arith.index_cast %select_n3A_214 : i32 to index
        %swap3A_683 = arith.index_cast %add3A_637 : i32 to index
        %swap3A_684 = arith.constant 32 : index
        %swap3A_685 = tpu.vector_load %arg13[%swap3A_682, %swap3A_683, %swap3A_684] {strides = array<i32>} : memref<3x64x64xf32, #tpu.memory_space<vmem>>, vector<1x1x16xf32>,
        %swap3A_686 = vector.shape_cast %swap3A_685 : vector<1x1x16xf32> to vector<16xf32>
        %swap3A_687 = vector.shape_cast %mul3A_681 : vector<16xf32> to vector<1x1x16xf32>
        tpu.vector_store %arg13[%swap3A_682, %swap3A_683, %swap3A_684], %swap3A_687 {strides = array<i32>} : memref<3x64x64xf32, #tpu.memory_space<vmem>>, vector<1x1x16xf32>,
        %mul3A_688 = vector.broadcast %squeeze3A_639 : f32 to vector<16xf32>
        %mul3A_689 = arith.mulf %bitcast_convert_type3A_679, %mul3A_688 : vector<16xf32>
        %swap3A_690 = arith.index_cast %select_n3A_214 : i32 to index
        %swap3A_691 = arith.index_cast %add3A_637 : i32 to index
        %swap3A_692 = arith.constant 48 : index
        %swap3A_693 = tpu.vector_load %arg13[%swap3A_690, %swap3A_691, %swap3A_692] {strides = array<i32>} : memref<3x64x64xf32, #tpu.memory_space<vmem>>, vector<1x1x16xf32>,
        %swap3A_694 = vector.shape_cast %swap3A_693 : vector<1x1x16xf32> to vector<16xf32>
        %swap3A_695 = vector.shape_cast %mul3A_689 : vector<16xf32> to vector<1x1x16xf32>
        tpu.vector_store %arg13[%swap3A_690, %swap3A_691, %swap3A_692], %swap3A_695 {strides = array<i32>} : memref<3x64x64xf32, #tpu.memory_space<vmem>>, vector<1x1x16xf32>,
        %mul3A_696 = arith.constant 16 : i32
        %mul3A_697 = arith.muli %add3A_261, %mul3A_696 : i32
        %add3A_698 = arith.constant 7 : i32
        %add3A_699 = arith.addi %mul3A_697, %add3A_698 : i32
        %slice3A_700 = vector.extract_strided_slice %get3A_266 {offsets = [7], sizes = [1], strides = [1]} : vector<16xf32> to vector<1xf32>
        %squeeze3A_701 = vector.extract %slice3A_700[0] : f32 from vector<1xf32>
        %get3A_702 = arith.index_cast %select_n3A_198 : i32 to index
        %get3A_703 = arith.index_cast %add3A_699 : i32 to index
        %get3A_704 = arith.constant 0 : index
        %get3A_705 = tpu.vector_load %arg12[%get3A_702, %get3A_703, %get3A_704] {strides = array<i32>} : memref<6x64x32xi32, #tpu.memory_space<vmem>>, vector<1x1x16xi32>,
        %get3A_706 = vector.shape_cast %get3A_705 : vector<1x1x16xi32> to vector<16xi32>
        %shift_left3A_707 = arith.constant 16 : i32
        %shift_left3A_708 = vector.broadcast %shift_left3A_707 : i32 to vector<16xi32>
        %shift_left3A_709 = arith.shli %get3A_706, %shift_left3A_708 : vector<16xi32>
        %bitcast_convert_type3A_710 = tpu.bitcast %shift_left3A_709 : vector<16xi32> -> vector<16xf32>
        %and3A_711 = vector.broadcast %scan3A_241 : i32 to vector<16xi32>
        %and3A_712 = arith.andi %get3A_706, %and3A_711 : vector<16xi32>
        %bitcast_convert_type3A_713 = tpu.bitcast %and3A_712 : vector<16xi32> -> vector<16xf32>
        %mul3A_714 = vector.broadcast %squeeze3A_701 : f32 to vector<16xf32>
        %mul3A_715 = arith.mulf %bitcast_convert_type3A_710, %mul3A_714 : vector<16xf32>
        %swap3A_716 = arith.index_cast %select_n3A_214 : i32 to index
        %swap3A_717 = arith.index_cast %add3A_699 : i32 to index
        %swap3A_718 = arith.constant 0 : index
        %swap3A_719 = tpu.vector_load %arg13[%swap3A_716, %swap3A_717, %swap3A_718] {strides = array<i32>} : memref<3x64x64xf32, #tpu.memory_space<vmem>>, vector<1x1x16xf32>,
        %swap3A_720 = vector.shape_cast %swap3A_719 : vector<1x1x16xf32> to vector<16xf32>
        %swap3A_721 = vector.shape_cast %mul3A_715 : vector<16xf32> to vector<1x1x16xf32>
        tpu.vector_store %arg13[%swap3A_716, %swap3A_717, %swap3A_718], %swap3A_721 {strides = array<i32>} : memref<3x64x64xf32, #tpu.memory_space<vmem>>, vector<1x1x16xf32>,
        %mul3A_722 = vector.broadcast %squeeze3A_701 : f32 to vector<16xf32>
        %mul3A_723 = arith.mulf %bitcast_convert_type3A_713, %mul3A_722 : vector<16xf32>
        %swap3A_724 = arith.index_cast %select_n3A_214 : i32 to index
        %swap3A_725 = arith.index_cast %add3A_699 : i32 to index
        %swap3A_726 = arith.constant 16 : index
        %swap3A_727 = tpu.vector_load %arg13[%swap3A_724, %swap3A_725, %swap3A_726] {strides = array<i32>} : memref<3x64x64xf32, #tpu.memory_space<vmem>>, vector<1x1x16xf32>,
        %swap3A_728 = vector.shape_cast %swap3A_727 : vector<1x1x16xf32> to vector<16xf32>
        %swap3A_729 = vector.shape_cast %mul3A_723 : vector<16xf32> to vector<1x1x16xf32>
        tpu.vector_store %arg13[%swap3A_724, %swap3A_725, %swap3A_726], %swap3A_729 {strides = array<i32>} : memref<3x64x64xf32, #tpu.memory_space<vmem>>, vector<1x1x16xf32>,
        %get3A_730 = arith.index_cast %select_n3A_198 : i32 to index
        %get3A_731 = arith.index_cast %add3A_699 : i32 to index
        %get3A_732 = arith.constant 16 : index
        %get3A_733 = tpu.vector_load %arg12[%get3A_730, %get3A_731, %get3A_732] {strides = array<i32>} : memref<6x64x32xi32, #tpu.memory_space<vmem>>, vector<1x1x16xi32>,
        %get3A_734 = vector.shape_cast %get3A_733 : vector<1x1x16xi32> to vector<16xi32>
        %shift_left3A_735 = arith.constant 16 : i32
        %shift_left3A_736 = vector.broadcast %shift_left3A_735 : i32 to vector<16xi32>
        %shift_left3A_737 = arith.shli %get3A_734, %shift_left3A_736 : vector<16xi32>
        %bitcast_convert_type3A_738 = tpu.bitcast %shift_left3A_737 : vector<16xi32> -> vector<16xf32>
        %and3A_739 = vector.broadcast %scan3A_241 : i32 to vector<16xi32>
        %and3A_740 = arith.andi %get3A_734, %and3A_739 : vector<16xi32>
        %bitcast_convert_type3A_741 = tpu.bitcast %and3A_740 : vector<16xi32> -> vector<16xf32>
        %mul3A_742 = vector.broadcast %squeeze3A_701 : f32 to vector<16xf32>
        %mul3A_743 = arith.mulf %bitcast_convert_type3A_738, %mul3A_742 : vector<16xf32>
        %swap3A_744 = arith.index_cast %select_n3A_214 : i32 to index
        %swap3A_745 = arith.index_cast %add3A_699 : i32 to index
        %swap3A_746 = arith.constant 32 : index
        %swap3A_747 = tpu.vector_load %arg13[%swap3A_744, %swap3A_745, %swap3A_746] {strides = array<i32>} : memref<3x64x64xf32, #tpu.memory_space<vmem>>, vector<1x1x16xf32>,
        %swap3A_748 = vector.shape_cast %swap3A_747 : vector<1x1x16xf32> to vector<16xf32>
        %swap3A_749 = vector.shape_cast %mul3A_743 : vector<16xf32> to vector<1x1x16xf32>
        tpu.vector_store %arg13[%swap3A_744, %swap3A_745, %swap3A_746], %swap3A_749 {strides = array<i32>} : memref<3x64x64xf32, #tpu.memory_space<vmem>>, vector<1x1x16xf32>,
        %mul3A_750 = vector.broadcast %squeeze3A_701 : f32 to vector<16xf32>
        %mul3A_751 = arith.mulf %bitcast_convert_type3A_741, %mul3A_750 : vector<16xf32>
        %swap3A_752 = arith.index_cast %select_n3A_214 : i32 to index
        %swap3A_753 = arith.index_cast %add3A_699 : i32 to index
        %swap3A_754 = arith.constant 48 : index
        %swap3A_755 = tpu.vector_load %arg13[%swap3A_752, %swap3A_753, %swap3A_754] {strides = array<i32>} : memref<3x64x64xf32, #tpu.memory_space<vmem>>, vector<1x1x16xf32>,
        %swap3A_756 = vector.shape_cast %swap3A_755 : vector<1x1x16xf32> to vector<16xf32>
        %swap3A_757 = vector.shape_cast %mul3A_751 : vector<16xf32> to vector<1x1x16xf32>
        tpu.vector_store %arg13[%swap3A_752, %swap3A_753, %swap3A_754], %swap3A_757 {strides = array<i32>} : memref<3x64x64xf32, #tpu.memory_space<vmem>>, vector<1x1x16xf32>,
        %mul3A_758 = arith.constant 16 : i32
        %mul3A_759 = arith.muli %add3A_261, %mul3A_758 : i32
        %add3A_760 = arith.constant 8 : i32
        %add3A_761 = arith.addi %mul3A_759, %add3A_760 : i32
        %slice3A_762 = vector.extract_strided_slice %get3A_266 {offsets = [8], sizes = [1], strides = [1]} : vector<16xf32> to vector<1xf32>
        %squeeze3A_763 = vector.extract %slice3A_762[0] : f32 from vector<1xf32>
        %get3A_764 = arith.index_cast %select_n3A_198 : i32 to index
        %get3A_765 = arith.index_cast %add3A_761 : i32 to index
        %get3A_766 = arith.constant 0 : index
        %get3A_767 = tpu.vector_load %arg12[%get3A_764, %get3A_765, %get3A_766] {strides = array<i32>} : memref<6x64x32xi32, #tpu.memory_space<vmem>>, vector<1x1x16xi32>,
        %get3A_768 = vector.shape_cast %get3A_767 : vector<1x1x16xi32> to vector<16xi32>
        %shift_left3A_769 = arith.constant 16 : i32
        %shift_left3A_770 = vector.broadcast %shift_left3A_769 : i32 to vector<16xi32>
        %shift_left3A_771 = arith.shli %get3A_768, %shift_left3A_770 : vector<16xi32>
        %bitcast_convert_type3A_772 = tpu.bitcast %shift_left3A_771 : vector<16xi32> -> vector<16xf32>
        %and3A_773 = vector.broadcast %scan3A_241 : i32 to vector<16xi32>
        %and3A_774 = arith.andi %get3A_768, %and3A_773 : vector<16xi32>
        %bitcast_convert_type3A_775 = tpu.bitcast %and3A_774 : vector<16xi32> -> vector<16xf32>
        %mul3A_776 = vector.broadcast %squeeze3A_763 : f32 to vector<16xf32>
        %mul3A_777 = arith.mulf %bitcast_convert_type3A_772, %mul3A_776 : vector<16xf32>
        %swap3A_778 = arith.index_cast %select_n3A_214 : i32 to index
        %swap3A_779 = arith.index_cast %add3A_761 : i32 to index
        %swap3A_780 = arith.constant 0 : index
        %swap3A_781 = tpu.vector_load %arg13[%swap3A_778, %swap3A_779, %swap3A_780] {strides = array<i32>} : memref<3x64x64xf32, #tpu.memory_space<vmem>>, vector<1x1x16xf32>,
        %swap3A_782 = vector.shape_cast %swap3A_781 : vector<1x1x16xf32> to vector<16xf32>
        %swap3A_783 = vector.shape_cast %mul3A_777 : vector<16xf32> to vector<1x1x16xf32>
        tpu.vector_store %arg13[%swap3A_778, %swap3A_779, %swap3A_780], %swap3A_783 {strides = array<i32>} : memref<3x64x64xf32, #tpu.memory_space<vmem>>, vector<1x1x16xf32>,
        %mul3A_784 = vector.broadcast %squeeze3A_763 : f32 to vector<16xf32>
        %mul3A_785 = arith.mulf %bitcast_convert_type3A_775, %mul3A_784 : vector<16xf32>
        %swap3A_786 = arith.index_cast %select_n3A_214 : i32 to index
        %swap3A_787 = arith.index_cast %add3A_761 : i32 to index
        %swap3A_788 = arith.constant 16 : index
        %swap3A_789 = tpu.vector_load %arg13[%swap3A_786, %swap3A_787, %swap3A_788] {strides = array<i32>} : memref<3x64x64xf32, #tpu.memory_space<vmem>>, vector<1x1x16xf32>,
        %swap3A_790 = vector.shape_cast %swap3A_789 : vector<1x1x16xf32> to vector<16xf32>
        %swap3A_791 = vector.shape_cast %mul3A_785 : vector<16xf32> to vector<1x1x16xf32>
        tpu.vector_store %arg13[%swap3A_786, %swap3A_787, %swap3A_788], %swap3A_791 {strides = array<i32>} : memref<3x64x64xf32, #tpu.memory_space<vmem>>, vector<1x1x16xf32>,
        %get3A_792 = arith.index_cast %select_n3A_198 : i32 to index
        %get3A_793 = arith.index_cast %add3A_761 : i32 to index
        %get3A_794 = arith.constant 16 : index
        %get3A_795 = tpu.vector_load %arg12[%get3A_792, %get3A_793, %get3A_794] {strides = array<i32>} : memref<6x64x32xi32, #tpu.memory_space<vmem>>, vector<1x1x16xi32>,
        %get3A_796 = vector.shape_cast %get3A_795 : vector<1x1x16xi32> to vector<16xi32>
        %shift_left3A_797 = arith.constant 16 : i32
        %shift_left3A_798 = vector.broadcast %shift_left3A_797 : i32 to vector<16xi32>
        %shift_left3A_799 = arith.shli %get3A_796, %shift_left3A_798 : vector<16xi32>
        %bitcast_convert_type3A_800 = tpu.bitcast %shift_left3A_799 : vector<16xi32> -> vector<16xf32>
        %and3A_801 = vector.broadcast %scan3A_241 : i32 to vector<16xi32>
        %and3A_802 = arith.andi %get3A_796, %and3A_801 : vector<16xi32>
        %bitcast_convert_type3A_803 = tpu.bitcast %and3A_802 : vector<16xi32> -> vector<16xf32>
        %mul3A_804 = vector.broadcast %squeeze3A_763 : f32 to vector<16xf32>
        %mul3A_805 = arith.mulf %bitcast_convert_type3A_800, %mul3A_804 : vector<16xf32>
        %swap3A_806 = arith.index_cast %select_n3A_214 : i32 to index
        %swap3A_807 = arith.index_cast %add3A_761 : i32 to index
        %swap3A_808 = arith.constant 32 : index
        %swap3A_809 = tpu.vector_load %arg13[%swap3A_806, %swap3A_807, %swap3A_808] {strides = array<i32>} : memref<3x64x64xf32, #tpu.memory_space<vmem>>, vector<1x1x16xf32>,
        %swap3A_810 = vector.shape_cast %swap3A_809 : vector<1x1x16xf32> to vector<16xf32>
        %swap3A_811 = vector.shape_cast %mul3A_805 : vector<16xf32> to vector<1x1x16xf32>
        tpu.vector_store %arg13[%swap3A_806, %swap3A_807, %swap3A_808], %swap3A_811 {strides = array<i32>} : memref<3x64x64xf32, #tpu.memory_space<vmem>>, vector<1x1x16xf32>,
        %mul3A_812 = vector.broadcast %squeeze3A_763 : f32 to vector<16xf32>
        %mul3A_813 = arith.mulf %bitcast_convert_type3A_803, %mul3A_812 : vector<16xf32>
        %swap3A_814 = arith.index_cast %select_n3A_214 : i32 to index
        %swap3A_815 = arith.index_cast %add3A_761 : i32 to index
        %swap3A_816 = arith.constant 48 : index
        %swap3A_817 = tpu.vector_load %arg13[%swap3A_814, %swap3A_815, %swap3A_816] {strides = array<i32>} : memref<3x64x64xf32, #tpu.memory_space<vmem>>, vector<1x1x16xf32>,
        %swap3A_818 = vector.shape_cast %swap3A_817 : vector<1x1x16xf32> to vector<16xf32>
        %swap3A_819 = vector.shape_cast %mul3A_813 : vector<16xf32> to vector<1x1x16xf32>
        tpu.vector_store %arg13[%swap3A_814, %swap3A_815, %swap3A_816], %swap3A_819 {strides = array<i32>} : memref<3x64x64xf32, #tpu.memory_space<vmem>>, vector<1x1x16xf32>,
        %mul3A_820 = arith.constant 16 : i32
        %mul3A_821 = arith.muli %add3A_261, %mul3A_820 : i32
        %add3A_822 = arith.constant 9 : i32
        %add3A_823 = arith.addi %mul3A_821, %add3A_822 : i32
        %slice3A_824 = vector.extract_strided_slice %get3A_266 {offsets = [9], sizes = [1], strides = [1]} : vector<16xf32> to vector<1xf32>
        %squeeze3A_825 = vector.extract %slice3A_824[0] : f32 from vector<1xf32>
        %get3A_826 = arith.index_cast %select_n3A_198 : i32 to index
        %get3A_827 = arith.index_cast %add3A_823 : i32 to index
        %get3A_828 = arith.constant 0 : index
        %get3A_829 = tpu.vector_load %arg12[%get3A_826, %get3A_827, %get3A_828] {strides = array<i32>} : memref<6x64x32xi32, #tpu.memory_space<vmem>>, vector<1x1x16xi32>,
        %get3A_830 = vector.shape_cast %get3A_829 : vector<1x1x16xi32> to vector<16xi32>
        %shift_left3A_831 = arith.constant 16 : i32
        %shift_left3A_832 = vector.broadcast %shift_left3A_831 : i32 to vector<16xi32>
        %shift_left3A_833 = arith.shli %get3A_830, %shift_left3A_832 : vector<16xi32>
        %bitcast_convert_type3A_834 = tpu.bitcast %shift_left3A_833 : vector<16xi32> -> vector<16xf32>
        %and3A_835 = vector.broadcast %scan3A_241 : i32 to vector<16xi32>
        %and3A_836 = arith.andi %get3A_830, %and3A_835 : vector<16xi32>
        %bitcast_convert_type3A_837 = tpu.bitcast %and3A_836 : vector<16xi32> -> vector<16xf32>
        %mul3A_838 = vector.broadcast %squeeze3A_825 : f32 to vector<16xf32>
        %mul3A_839 = arith.mulf %bitcast_convert_type3A_834, %mul3A_838 : vector<16xf32>
        %swap3A_840 = arith.index_cast %select_n3A_214 : i32 to index
        %swap3A_841 = arith.index_cast %add3A_823 : i32 to index
        %swap3A_842 = arith.constant 0 : index
        %swap3A_843 = tpu.vector_load %arg13[%swap3A_840, %swap3A_841, %swap3A_842] {strides = array<i32>} : memref<3x64x64xf32, #tpu.memory_space<vmem>>, vector<1x1x16xf32>,
        %swap3A_844 = vector.shape_cast %swap3A_843 : vector<1x1x16xf32> to vector<16xf32>
        %swap3A_845 = vector.shape_cast %mul3A_839 : vector<16xf32> to vector<1x1x16xf32>
        tpu.vector_store %arg13[%swap3A_840, %swap3A_841, %swap3A_842], %swap3A_845 {strides = array<i32>} : memref<3x64x64xf32, #tpu.memory_space<vmem>>, vector<1x1x16xf32>,
        %mul3A_846 = vector.broadcast %squeeze3A_825 : f32 to vector<16xf32>
        %mul3A_847 = arith.mulf %bitcast_convert_type3A_837, %mul3A_846 : vector<16xf32>
        %swap3A_848 = arith.index_cast %select_n3A_214 : i32 to index
        %swap3A_849 = arith.index_cast %add3A_823 : i32 to index
        %swap3A_850 = arith.constant 16 : index
        %swap3A_851 = tpu.vector_load %arg13[%swap3A_848, %swap3A_849, %swap3A_850] {strides = array<i32>} : memref<3x64x64xf32, #tpu.memory_space<vmem>>, vector<1x1x16xf32>,
        %swap3A_852 = vector.shape_cast %swap3A_851 : vector<1x1x16xf32> to vector<16xf32>
        %swap3A_853 = vector.shape_cast %mul3A_847 : vector<16xf32> to vector<1x1x16xf32>
        tpu.vector_store %arg13[%swap3A_848, %swap3A_849, %swap3A_850], %swap3A_853 {strides = array<i32>} : memref<3x64x64xf32, #tpu.memory_space<vmem>>, vector<1x1x16xf32>,
        %get3A_854 = arith.index_cast %select_n3A_198 : i32 to index
        %get3A_855 = arith.index_cast %add3A_823 : i32 to index
        %get3A_856 = arith.constant 16 : index
        %get3A_857 = tpu.vector_load %arg12[%get3A_854, %get3A_855, %get3A_856] {strides = array<i32>} : memref<6x64x32xi32, #tpu.memory_space<vmem>>, vector<1x1x16xi32>,
        %get3A_858 = vector.shape_cast %get3A_857 : vector<1x1x16xi32> to vector<16xi32>
        %shift_left3A_859 = arith.constant 16 : i32
        %shift_left3A_860 = vector.broadcast %shift_left3A_859 : i32 to vector<16xi32>
        %shift_left3A_861 = arith.shli %get3A_858, %shift_left3A_860 : vector<16xi32>
        %bitcast_convert_type3A_862 = tpu.bitcast %shift_left3A_861 : vector<16xi32> -> vector<16xf32>
        %and3A_863 = vector.broadcast %scan3A_241 : i32 to vector<16xi32>
        %and3A_864 = arith.andi %get3A_858, %and3A_863 : vector<16xi32>
        %bitcast_convert_type3A_865 = tpu.bitcast %and3A_864 : vector<16xi32> -> vector<16xf32>
        %mul3A_866 = vector.broadcast %squeeze3A_825 : f32 to vector<16xf32>
        %mul3A_867 = arith.mulf %bitcast_convert_type3A_862, %mul3A_866 : vector<16xf32>
        %swap3A_868 = arith.index_cast %select_n3A_214 : i32 to index
        %swap3A_869 = arith.index_cast %add3A_823 : i32 to index
        %swap3A_870 = arith.constant 32 : index
        %swap3A_871 = tpu.vector_load %arg13[%swap3A_868, %swap3A_869, %swap3A_870] {strides = array<i32>} : memref<3x64x64xf32, #tpu.memory_space<vmem>>, vector<1x1x16xf32>,
        %swap3A_872 = vector.shape_cast %swap3A_871 : vector<1x1x16xf32> to vector<16xf32>
        %swap3A_873 = vector.shape_cast %mul3A_867 : vector<16xf32> to vector<1x1x16xf32>
        tpu.vector_store %arg13[%swap3A_868, %swap3A_869, %swap3A_870], %swap3A_873 {strides = array<i32>} : memref<3x64x64xf32, #tpu.memory_space<vmem>>, vector<1x1x16xf32>,
        %mul3A_874 = vector.broadcast %squeeze3A_825 : f32 to vector<16xf32>
        %mul3A_875 = arith.mulf %bitcast_convert_type3A_865, %mul3A_874 : vector<16xf32>
        %swap3A_876 = arith.index_cast %select_n3A_214 : i32 to index
        %swap3A_877 = arith.index_cast %add3A_823 : i32 to index
        %swap3A_878 = arith.constant 48 : index
        %swap3A_879 = tpu.vector_load %arg13[%swap3A_876, %swap3A_877, %swap3A_878] {strides = array<i32>} : memref<3x64x64xf32, #tpu.memory_space<vmem>>, vector<1x1x16xf32>,
        %swap3A_880 = vector.shape_cast %swap3A_879 : vector<1x1x16xf32> to vector<16xf32>
        %swap3A_881 = vector.shape_cast %mul3A_875 : vector<16xf32> to vector<1x1x16xf32>
        tpu.vector_store %arg13[%swap3A_876, %swap3A_877, %swap3A_878], %swap3A_881 {strides = array<i32>} : memref<3x64x64xf32, #tpu.memory_space<vmem>>, vector<1x1x16xf32>,
        %mul3A_882 = arith.constant 16 : i32
        %mul3A_883 = arith.muli %add3A_261, %mul3A_882 : i32
        %add3A_884 = arith.constant 10 : i32
        %add3A_885 = arith.addi %mul3A_883, %add3A_884 : i32
        %slice3A_886 = vector.extract_strided_slice %get3A_266 {offsets = [10], sizes = [1], strides = [1]} : vector<16xf32> to vector<1xf32>
        %squeeze3A_887 = vector.extract %slice3A_886[0] : f32 from vector<1xf32>
        %get3A_888 = arith.index_cast %select_n3A_198 : i32 to index
        %get3A_889 = arith.index_cast %add3A_885 : i32 to index
        %get3A_890 = arith.constant 0 : index
        %get3A_891 = tpu.vector_load %arg12[%get3A_888, %get3A_889, %get3A_890] {strides = array<i32>} : memref<6x64x32xi32, #tpu.memory_space<vmem>>, vector<1x1x16xi32>,
        %get3A_892 = vector.shape_cast %get3A_891 : vector<1x1x16xi32> to vector<16xi32>
        %shift_left3A_893 = arith.constant 16 : i32
        %shift_left3A_894 = vector.broadcast %shift_left3A_893 : i32 to vector<16xi32>
        %shift_left3A_895 = arith.shli %get3A_892, %shift_left3A_894 : vector<16xi32>
        %bitcast_convert_type3A_896 = tpu.bitcast %shift_left3A_895 : vector<16xi32> -> vector<16xf32>
        %and3A_897 = vector.broadcast %scan3A_241 : i32 to vector<16xi32>
        %and3A_898 = arith.andi %get3A_892, %and3A_897 : vector<16xi32>
        %bitcast_convert_type3A_899 = tpu.bitcast %and3A_898 : vector<16xi32> -> vector<16xf32>
        %mul3A_900 = vector.broadcast %squeeze3A_887 : f32 to vector<16xf32>
        %mul3A_901 = arith.mulf %bitcast_convert_type3A_896, %mul3A_900 : vector<16xf32>
        %swap3A_902 = arith.index_cast %select_n3A_214 : i32 to index
        %swap3A_903 = arith.index_cast %add3A_885 : i32 to index
        %swap3A_904 = arith.constant 0 : index
        %swap3A_905 = tpu.vector_load %arg13[%swap3A_902, %swap3A_903, %swap3A_904] {strides = array<i32>} : memref<3x64x64xf32, #tpu.memory_space<vmem>>, vector<1x1x16xf32>,
        %swap3A_906 = vector.shape_cast %swap3A_905 : vector<1x1x16xf32> to vector<16xf32>
        %swap3A_907 = vector.shape_cast %mul3A_901 : vector<16xf32> to vector<1x1x16xf32>
        tpu.vector_store %arg13[%swap3A_902, %swap3A_903, %swap3A_904], %swap3A_907 {strides = array<i32>} : memref<3x64x64xf32, #tpu.memory_space<vmem>>, vector<1x1x16xf32>,
        %mul3A_908 = vector.broadcast %squeeze3A_887 : f32 to vector<16xf32>
        %mul3A_909 = arith.mulf %bitcast_convert_type3A_899, %mul3A_908 : vector<16xf32>
        %swap3A_910 = arith.index_cast %select_n3A_214 : i32 to index
        %swap3A_911 = arith.index_cast %add3A_885 : i32 to index
        %swap3A_912 = arith.constant 16 : index
        %swap3A_913 = tpu.vector_load %arg13[%swap3A_910, %swap3A_911, %swap3A_912] {strides = array<i32>} : memref<3x64x64xf32, #tpu.memory_space<vmem>>, vector<1x1x16xf32>,
        %swap3A_914 = vector.shape_cast %swap3A_913 : vector<1x1x16xf32> to vector<16xf32>
        %swap3A_915 = vector.shape_cast %mul3A_909 : vector<16xf32> to vector<1x1x16xf32>
        tpu.vector_store %arg13[%swap3A_910, %swap3A_911, %swap3A_912], %swap3A_915 {strides = array<i32>} : memref<3x64x64xf32, #tpu.memory_space<vmem>>, vector<1x1x16xf32>,
        %get3A_916 = arith.index_cast %select_n3A_198 : i32 to index
        %get3A_917 = arith.index_cast %add3A_885 : i32 to index
        %get3A_918 = arith.constant 16 : index
        %get3A_919 = tpu.vector_load %arg12[%get3A_916, %get3A_917, %get3A_918] {strides = array<i32>} : memref<6x64x32xi32, #tpu.memory_space<vmem>>, vector<1x1x16xi32>,
        %get3A_920 = vector.shape_cast %get3A_919 : vector<1x1x16xi32> to vector<16xi32>
        %shift_left3A_921 = arith.constant 16 : i32
        %shift_left3A_922 = vector.broadcast %shift_left3A_921 : i32 to vector<16xi32>
        %shift_left3A_923 = arith.shli %get3A_920, %shift_left3A_922 : vector<16xi32>
        %bitcast_convert_type3A_924 = tpu.bitcast %shift_left3A_923 : vector<16xi32> -> vector<16xf32>
        %and3A_925 = vector.broadcast %scan3A_241 : i32 to vector<16xi32>
        %and3A_926 = arith.andi %get3A_920, %and3A_925 : vector<16xi32>
        %bitcast_convert_type3A_927 = tpu.bitcast %and3A_926 : vector<16xi32> -> vector<16xf32>
        %mul3A_928 = vector.broadcast %squeeze3A_887 : f32 to vector<16xf32>
        %mul3A_929 = arith.mulf %bitcast_convert_type3A_924, %mul3A_928 : vector<16xf32>
        %swap3A_930 = arith.index_cast %select_n3A_214 : i32 to index
        %swap3A_931 = arith.index_cast %add3A_885 : i32 to index
        %swap3A_932 = arith.constant 32 : index
        %swap3A_933 = tpu.vector_load %arg13[%swap3A_930, %swap3A_931, %swap3A_932] {strides = array<i32>} : memref<3x64x64xf32, #tpu.memory_space<vmem>>, vector<1x1x16xf32>,
        %swap3A_934 = vector.shape_cast %swap3A_933 : vector<1x1x16xf32> to vector<16xf32>
        %swap3A_935 = vector.shape_cast %mul3A_929 : vector<16xf32> to vector<1x1x16xf32>
        tpu.vector_store %arg13[%swap3A_930, %swap3A_931, %swap3A_932], %swap3A_935 {strides = array<i32>} : memref<3x64x64xf32, #tpu.memory_space<vmem>>, vector<1x1x16xf32>,
        %mul3A_936 = vector.broadcast %squeeze3A_887 : f32 to vector<16xf32>
        %mul3A_937 = arith.mulf %bitcast_convert_type3A_927, %mul3A_936 : vector<16xf32>
        %swap3A_938 = arith.index_cast %select_n3A_214 : i32 to index
        %swap3A_939 = arith.index_cast %add3A_885 : i32 to index
        %swap3A_940 = arith.constant 48 : index
        %swap3A_941 = tpu.vector_load %arg13[%swap3A_938, %swap3A_939, %swap3A_940] {strides = array<i32>} : memref<3x64x64xf32, #tpu.memory_space<vmem>>, vector<1x1x16xf32>,
        %swap3A_942 = vector.shape_cast %swap3A_941 : vector<1x1x16xf32> to vector<16xf32>
        %swap3A_943 = vector.shape_cast %mul3A_937 : vector<16xf32> to vector<1x1x16xf32>
        tpu.vector_store %arg13[%swap3A_938, %swap3A_939, %swap3A_940], %swap3A_943 {strides = array<i32>} : memref<3x64x64xf32, #tpu.memory_space<vmem>>, vector<1x1x16xf32>,
        %mul3A_944 = arith.constant 16 : i32
        %mul3A_945 = arith.muli %add3A_261, %mul3A_944 : i32
        %add3A_946 = arith.constant 11 : i32
        %add3A_947 = arith.addi %mul3A_945, %add3A_946 : i32
        %slice3A_948 = vector.extract_strided_slice %get3A_266 {offsets = [11], sizes = [1], strides = [1]} : vector<16xf32> to vector<1xf32>
        %squeeze3A_949 = vector.extract %slice3A_948[0] : f32 from vector<1xf32>
        %get3A_950 = arith.index_cast %select_n3A_198 : i32 to index
        %get3A_951 = arith.index_cast %add3A_947 : i32 to index
        %get3A_952 = arith.constant 0 : index
        %get3A_953 = tpu.vector_load %arg12[%get3A_950, %get3A_951, %get3A_952] {strides = array<i32>} : memref<6x64x32xi32, #tpu.memory_space<vmem>>, vector<1x1x16xi32>,
        %get3A_954 = vector.shape_cast %get3A_953 : vector<1x1x16xi32> to vector<16xi32>
        %shift_left3A_955 = arith.constant 16 : i32
        %shift_left3A_956 = vector.broadcast %shift_left3A_955 : i32 to vector<16xi32>
        %shift_left3A_957 = arith.shli %get3A_954, %shift_left3A_956 : vector<16xi32>
        %bitcast_convert_type3A_958 = tpu.bitcast %shift_left3A_957 : vector<16xi32> -> vector<16xf32>
        %and3A_959 = vector.broadcast %scan3A_241 : i32 to vector<16xi32>
        %and3A_960 = arith.andi %get3A_954, %and3A_959 : vector<16xi32>
        %bitcast_convert_type3A_961 = tpu.bitcast %and3A_960 : vector<16xi32> -> vector<16xf32>
        %mul3A_962 = vector.broadcast %squeeze3A_949 : f32 to vector<16xf32>
        %mul3A_963 = arith.mulf %bitcast_convert_type3A_958, %mul3A_962 : vector<16xf32>
        %swap3A_964 = arith.index_cast %select_n3A_214 : i32 to index
        %swap3A_965 = arith.index_cast %add3A_947 : i32 to index
        %swap3A_966 = arith.constant 0 : index
        %swap3A_967 = tpu.vector_load %arg13[%swap3A_964, %swap3A_965, %swap3A_966] {strides = array<i32>} : memref<3x64x64xf32, #tpu.memory_space<vmem>>, vector<1x1x16xf32>,
        %swap3A_968 = vector.shape_cast %swap3A_967 : vector<1x1x16xf32> to vector<16xf32>
        %swap3A_969 = vector.shape_cast %mul3A_963 : vector<16xf32> to vector<1x1x16xf32>
        tpu.vector_store %arg13[%swap3A_964, %swap3A_965, %swap3A_966], %swap3A_969 {strides = array<i32>} : memref<3x64x64xf32, #tpu.memory_space<vmem>>, vector<1x1x16xf32>,
        %mul3A_970 = vector.broadcast %squeeze3A_949 : f32 to vector<16xf32>
        %mul3A_971 = arith.mulf %bitcast_convert_type3A_961, %mul3A_970 : vector<16xf32>
        %swap3A_972 = arith.index_cast %select_n3A_214 : i32 to index
        %swap3A_973 = arith.index_cast %add3A_947 : i32 to index
        %swap3A_974 = arith.constant 16 : index
        %swap3A_975 = tpu.vector_load %arg13[%swap3A_972, %swap3A_973, %swap3A_974] {strides = array<i32>} : memref<3x64x64xf32, #tpu.memory_space<vmem>>, vector<1x1x16xf32>,
        %swap3A_976 = vector.shape_cast %swap3A_975 : vector<1x1x16xf32> to vector<16xf32>
        %swap3A_977 = vector.shape_cast %mul3A_971 : vector<16xf32> to vector<1x1x16xf32>
        tpu.vector_store %arg13[%swap3A_972, %swap3A_973, %swap3A_974], %swap3A_977 {strides = array<i32>} : memref<3x64x64xf32, #tpu.memory_space<vmem>>, vector<1x1x16xf32>,
        %get3A_978 = arith.index_cast %select_n3A_198 : i32 to index
        %get3A_979 = arith.index_cast %add3A_947 : i32 to index
        %get3A_980 = arith.constant 16 : index
        %get3A_981 = tpu.vector_load %arg12[%get3A_978, %get3A_979, %get3A_980] {strides = array<i32>} : memref<6x64x32xi32, #tpu.memory_space<vmem>>, vector<1x1x16xi32>,
        %get3A_982 = vector.shape_cast %get3A_981 : vector<1x1x16xi32> to vector<16xi32>
        %shift_left3A_983 = arith.constant 16 : i32
        %shift_left3A_984 = vector.broadcast %shift_left3A_983 : i32 to vector<16xi32>
        %shift_left3A_985 = arith.shli %get3A_982, %shift_left3A_984 : vector<16xi32>
        %bitcast_convert_type3A_986 = tpu.bitcast %shift_left3A_985 : vector<16xi32> -> vector<16xf32>
        %and3A_987 = vector.broadcast %scan3A_241 : i32 to vector<16xi32>
        %and3A_988 = arith.andi %get3A_982, %and3A_987 : vector<16xi32>
        %bitcast_convert_type3A_989 = tpu.bitcast %and3A_988 : vector<16xi32> -> vector<16xf32>
        %mul3A_990 = vector.broadcast %squeeze3A_949 : f32 to vector<16xf32>
        %mul3A_991 = arith.mulf %bitcast_convert_type3A_986, %mul3A_990 : vector<16xf32>
        %swap3A_992 = arith.index_cast %select_n3A_214 : i32 to index
        %swap3A_993 = arith.index_cast %add3A_947 : i32 to index
        %swap3A_994 = arith.constant 32 : index
        %swap3A_995 = tpu.vector_load %arg13[%swap3A_992, %swap3A_993, %swap3A_994] {strides = array<i32>} : memref<3x64x64xf32, #tpu.memory_space<vmem>>, vector<1x1x16xf32>,
        %swap3A_996 = vector.shape_cast %swap3A_995 : vector<1x1x16xf32> to vector<16xf32>
        %swap3A_997 = vector.shape_cast %mul3A_991 : vector<16xf32> to vector<1x1x16xf32>
        tpu.vector_store %arg13[%swap3A_992, %swap3A_993, %swap3A_994], %swap3A_997 {strides = array<i32>} : memref<3x64x64xf32, #tpu.memory_space<vmem>>, vector<1x1x16xf32>,
        %mul3A_998 = vector.broadcast %squeeze3A_949 : f32 to vector<16xf32>
        %mul3A_999 = arith.mulf %bitcast_convert_type3A_989, %mul3A_998 : vector<16xf32>
        %swap3A_1000 = arith.index_cast %select_n3A_214 : i32 to index
        %swap3A_1001 = arith.index_cast %add3A_947 : i32 to index
        %swap3A_1002 = arith.constant 48 : index
        %swap3A_1003 = tpu.vector_load %arg13[%swap3A_1000, %swap3A_1001, %swap3A_1002] {strides = array<i32>} : memref<3x64x64xf32, #tpu.memory_space<vmem>>, vector<1x1x16xf32>,
        %swap3A_1004 = vector.shape_cast %swap3A_1003 : vector<1x1x16xf32> to vector<16xf32>
        %swap3A_1005 = vector.shape_cast %mul3A_999 : vector<16xf32> to vector<1x1x16xf32>
        tpu.vector_store %arg13[%swap3A_1000, %swap3A_1001, %swap3A_1002], %swap3A_1005 {strides = array<i32>} : memref<3x64x64xf32, #tpu.memory_space<vmem>>, vector<1x1x16xf32>,
        %mul3A_1006 = arith.constant 16 : i32
        %mul3A_1007 = arith.muli %add3A_261, %mul3A_1006 : i32
        %add3A_1008 = arith.constant 12 : i32
        %add3A_1009 = arith.addi %mul3A_1007, %add3A_1008 : i32
        %slice3A_1010 = vector.extract_strided_slice %get3A_266 {offsets = [12], sizes = [1], strides = [1]} : vector<16xf32> to vector<1xf32>
        %squeeze3A_1011 = vector.extract %slice3A_1010[0] : f32 from vector<1xf32>
        %get3A_1012 = arith.index_cast %select_n3A_198 : i32 to index
        %get3A_1013 = arith.index_cast %add3A_1009 : i32 to index
        %get3A_1014 = arith.constant 0 : index
        %get3A_1015 = tpu.vector_load %arg12[%get3A_1012, %get3A_1013, %get3A_1014] {strides = array<i32>} : memref<6x64x32xi32, #tpu.memory_space<vmem>>, vector<1x1x16xi32>,
        %get3A_1016 = vector.shape_cast %get3A_1015 : vector<1x1x16xi32> to vector<16xi32>
        %shift_left3A_1017 = arith.constant 16 : i32
        %shift_left3A_1018 = vector.broadcast %shift_left3A_1017 : i32 to vector<16xi32>
        %shift_left3A_1019 = arith.shli %get3A_1016, %shift_left3A_1018 : vector<16xi32>
        %bitcast_convert_type3A_1020 = tpu.bitcast %shift_left3A_1019 : vector<16xi32> -> vector<16xf32>
        %and3A_1021 = vector.broadcast %scan3A_241 : i32 to vector<16xi32>
        %and3A_1022 = arith.andi %get3A_1016, %and3A_1021 : vector<16xi32>
        %bitcast_convert_type3A_1023 = tpu.bitcast %and3A_1022 : vector<16xi32> -> vector<16xf32>
        %mul3A_1024 = vector.broadcast %squeeze3A_1011 : f32 to vector<16xf32>
        %mul3A_1025 = arith.mulf %bitcast_convert_type3A_1020, %mul3A_1024 : vector<16xf32>
        %swap3A_1026 = arith.index_cast %select_n3A_214 : i32 to index
        %swap3A_1027 = arith.index_cast %add3A_1009 : i32 to index
        %swap3A_1028 = arith.constant 0 : index
        %swap3A_1029 = tpu.vector_load %arg13[%swap3A_1026, %swap3A_1027, %swap3A_1028] {strides = array<i32>} : memref<3x64x64xf32, #tpu.memory_space<vmem>>, vector<1x1x16xf32>,
        %swap3A_1030 = vector.shape_cast %swap3A_1029 : vector<1x1x16xf32> to vector<16xf32>
        %swap3A_1031 = vector.shape_cast %mul3A_1025 : vector<16xf32> to vector<1x1x16xf32>
        tpu.vector_store %arg13[%swap3A_1026, %swap3A_1027, %swap3A_1028], %swap3A_1031 {strides = array<i32>} : memref<3x64x64xf32, #tpu.memory_space<vmem>>, vector<1x1x16xf32>,
        %mul3A_1032 = vector.broadcast %squeeze3A_1011 : f32 to vector<16xf32>
        %mul3A_1033 = arith.mulf %bitcast_convert_type3A_1023, %mul3A_1032 : vector<16xf32>
        %swap3A_1034 = arith.index_cast %select_n3A_214 : i32 to index
        %swap3A_1035 = arith.index_cast %add3A_1009 : i32 to index
        %swap3A_1036 = arith.constant 16 : index
        %swap3A_1037 = tpu.vector_load %arg13[%swap3A_1034, %swap3A_1035, %swap3A_1036] {strides = array<i32>} : memref<3x64x64xf32, #tpu.memory_space<vmem>>, vector<1x1x16xf32>,
        %swap3A_1038 = vector.shape_cast %swap3A_1037 : vector<1x1x16xf32> to vector<16xf32>
        %swap3A_1039 = vector.shape_cast %mul3A_1033 : vector<16xf32> to vector<1x1x16xf32>
        tpu.vector_store %arg13[%swap3A_1034, %swap3A_1035, %swap3A_1036], %swap3A_1039 {strides = array<i32>} : memref<3x64x64xf32, #tpu.memory_space<vmem>>, vector<1x1x16xf32>,
        %get3A_1040 = arith.index_cast %select_n3A_198 : i32 to index
        %get3A_1041 = arith.index_cast %add3A_1009 : i32 to index
        %get3A_1042 = arith.constant 16 : index
        %get3A_1043 = tpu.vector_load %arg12[%get3A_1040, %get3A_1041, %get3A_1042] {strides = array<i32>} : memref<6x64x32xi32, #tpu.memory_space<vmem>>, vector<1x1x16xi32>,
        %get3A_1044 = vector.shape_cast %get3A_1043 : vector<1x1x16xi32> to vector<16xi32>
        %shift_left3A_1045 = arith.constant 16 : i32
        %shift_left3A_1046 = vector.broadcast %shift_left3A_1045 : i32 to vector<16xi32>
        %shift_left3A_1047 = arith.shli %get3A_1044, %shift_left3A_1046 : vector<16xi32>
        %bitcast_convert_type3A_1048 = tpu.bitcast %shift_left3A_1047 : vector<16xi32> -> vector<16xf32>
        %and3A_1049 = vector.broadcast %scan3A_241 : i32 to vector<16xi32>
        %and3A_1050 = arith.andi %get3A_1044, %and3A_1049 : vector<16xi32>
        %bitcast_convert_type3A_1051 = tpu.bitcast %and3A_1050 : vector<16xi32> -> vector<16xf32>
        %mul3A_1052 = vector.broadcast %squeeze3A_1011 : f32 to vector<16xf32>
        %mul3A_1053 = arith.mulf %bitcast_convert_type3A_1048, %mul3A_1052 : vector<16xf32>
        %swap3A_1054 = arith.index_cast %select_n3A_214 : i32 to index
        %swap3A_1055 = arith.index_cast %add3A_1009 : i32 to index
        %swap3A_1056 = arith.constant 32 : index
        %swap3A_1057 = tpu.vector_load %arg13[%swap3A_1054, %swap3A_1055, %swap3A_1056] {strides = array<i32>} : memref<3x64x64xf32, #tpu.memory_space<vmem>>, vector<1x1x16xf32>,
        %swap3A_1058 = vector.shape_cast %swap3A_1057 : vector<1x1x16xf32> to vector<16xf32>
        %swap3A_1059 = vector.shape_cast %mul3A_1053 : vector<16xf32> to vector<1x1x16xf32>
        tpu.vector_store %arg13[%swap3A_1054, %swap3A_1055, %swap3A_1056], %swap3A_1059 {strides = array<i32>} : memref<3x64x64xf32, #tpu.memory_space<vmem>>, vector<1x1x16xf32>,
        %mul3A_1060 = vector.broadcast %squeeze3A_1011 : f32 to vector<16xf32>
        %mul3A_1061 = arith.mulf %bitcast_convert_type3A_1051, %mul3A_1060 : vector<16xf32>
        %swap3A_1062 = arith.index_cast %select_n3A_214 : i32 to index
        %swap3A_1063 = arith.index_cast %add3A_1009 : i32 to index
        %swap3A_1064 = arith.constant 48 : index
        %swap3A_1065 = tpu.vector_load %arg13[%swap3A_1062, %swap3A_1063, %swap3A_1064] {strides = array<i32>} : memref<3x64x64xf32, #tpu.memory_space<vmem>>, vector<1x1x16xf32>,
        %swap3A_1066 = vector.shape_cast %swap3A_1065 : vector<1x1x16xf32> to vector<16xf32>
        %swap3A_1067 = vector.shape_cast %mul3A_1061 : vector<16xf32> to vector<1x1x16xf32>
        tpu.vector_store %arg13[%swap3A_1062, %swap3A_1063, %swap3A_1064], %swap3A_1067 {strides = array<i32>} : memref<3x64x64xf32, #tpu.memory_space<vmem>>, vector<1x1x16xf32>,
        %mul3A_1068 = arith.constant 16 : i32
        %mul3A_1069 = arith.muli %add3A_261, %mul3A_1068 : i32
        %add3A_1070 = arith.constant 13 : i32
        %add3A_1071 = arith.addi %mul3A_1069, %add3A_1070 : i32
        %slice3A_1072 = vector.extract_strided_slice %get3A_266 {offsets = [13], sizes = [1], strides = [1]} : vector<16xf32> to vector<1xf32>
        %squeeze3A_1073 = vector.extract %slice3A_1072[0] : f32 from vector<1xf32>
        %get3A_1074 = arith.index_cast %select_n3A_198 : i32 to index
        %get3A_1075 = arith.index_cast %add3A_1071 : i32 to index
        %get3A_1076 = arith.constant 0 : index
        %get3A_1077 = tpu.vector_load %arg12[%get3A_1074, %get3A_1075, %get3A_1076] {strides = array<i32>} : memref<6x64x32xi32, #tpu.memory_space<vmem>>, vector<1x1x16xi32>,
        %get3A_1078 = vector.shape_cast %get3A_1077 : vector<1x1x16xi32> to vector<16xi32>
        %shift_left3A_1079 = arith.constant 16 : i32
        %shift_left3A_1080 = vector.broadcast %shift_left3A_1079 : i32 to vector<16xi32>
        %shift_left3A_1081 = arith.shli %get3A_1078, %shift_left3A_1080 : vector<16xi32>
        %bitcast_convert_type3A_1082 = tpu.bitcast %shift_left3A_1081 : vector<16xi32> -> vector<16xf32>
        %and3A_1083 = vector.broadcast %scan3A_241 : i32 to vector<16xi32>
        %and3A_1084 = arith.andi %get3A_1078, %and3A_1083 : vector<16xi32>
        %bitcast_convert_type3A_1085 = tpu.bitcast %and3A_1084 : vector<16xi32> -> vector<16xf32>
        %mul3A_1086 = vector.broadcast %squeeze3A_1073 : f32 to vector<16xf32>
        %mul3A_1087 = arith.mulf %bitcast_convert_type3A_1082, %mul3A_1086 : vector<16xf32>
        %swap3A_1088 = arith.index_cast %select_n3A_214 : i32 to index
        %swap3A_1089 = arith.index_cast %add3A_1071 : i32 to index
        %swap3A_1090 = arith.constant 0 : index
        %swap3A_1091 = tpu.vector_load %arg13[%swap3A_1088, %swap3A_1089, %swap3A_1090] {strides = array<i32>} : memref<3x64x64xf32, #tpu.memory_space<vmem>>, vector<1x1x16xf32>,
        %swap3A_1092 = vector.shape_cast %swap3A_1091 : vector<1x1x16xf32> to vector<16xf32>
        %swap3A_1093 = vector.shape_cast %mul3A_1087 : vector<16xf32> to vector<1x1x16xf32>
        tpu.vector_store %arg13[%swap3A_1088, %swap3A_1089, %swap3A_1090], %swap3A_1093 {strides = array<i32>} : memref<3x64x64xf32, #tpu.memory_space<vmem>>, vector<1x1x16xf32>,
        %mul3A_1094 = vector.broadcast %squeeze3A_1073 : f32 to vector<16xf32>
        %mul3A_1095 = arith.mulf %bitcast_convert_type3A_1085, %mul3A_1094 : vector<16xf32>
        %swap3A_1096 = arith.index_cast %select_n3A_214 : i32 to index
        %swap3A_1097 = arith.index_cast %add3A_1071 : i32 to index
        %swap3A_1098 = arith.constant 16 : index
        %swap3A_1099 = tpu.vector_load %arg13[%swap3A_1096, %swap3A_1097, %swap3A_1098] {strides = array<i32>} : memref<3x64x64xf32, #tpu.memory_space<vmem>>, vector<1x1x16xf32>,
        %swap3A_1100 = vector.shape_cast %swap3A_1099 : vector<1x1x16xf32> to vector<16xf32>
        %swap3A_1101 = vector.shape_cast %mul3A_1095 : vector<16xf32> to vector<1x1x16xf32>
        tpu.vector_store %arg13[%swap3A_1096, %swap3A_1097, %swap3A_1098], %swap3A_1101 {strides = array<i32>} : memref<3x64x64xf32, #tpu.memory_space<vmem>>, vector<1x1x16xf32>,
        %get3A_1102 = arith.index_cast %select_n3A_198 : i32 to index
        %get3A_1103 = arith.index_cast %add3A_1071 : i32 to index
        %get3A_1104 = arith.constant 16 : index
        %get3A_1105 = tpu.vector_load %arg12[%get3A_1102, %get3A_1103, %get3A_1104] {strides = array<i32>} : memref<6x64x32xi32, #tpu.memory_space<vmem>>, vector<1x1x16xi32>,
        %get3A_1106 = vector.shape_cast %get3A_1105 : vector<1x1x16xi32> to vector<16xi32>
        %shift_left3A_1107 = arith.constant 16 : i32
        %shift_left3A_1108 = vector.broadcast %shift_left3A_1107 : i32 to vector<16xi32>
        %shift_left3A_1109 = arith.shli %get3A_1106, %shift_left3A_1108 : vector<16xi32>
        %bitcast_convert_type3A_1110 = tpu.bitcast %shift_left3A_1109 : vector<16xi32> -> vector<16xf32>
        %and3A_1111 = vector.broadcast %scan3A_241 : i32 to vector<16xi32>
        %and3A_1112 = arith.andi %get3A_1106, %and3A_1111 : vector<16xi32>
        %bitcast_convert_type3A_1113 = tpu.bitcast %and3A_1112 : vector<16xi32> -> vector<16xf32>
        %mul3A_1114 = vector.broadcast %squeeze3A_1073 : f32 to vector<16xf32>
        %mul3A_1115 = arith.mulf %bitcast_convert_type3A_1110, %mul3A_1114 : vector<16xf32>
        %swap3A_1116 = arith.index_cast %select_n3A_214 : i32 to index
        %swap3A_1117 = arith.index_cast %add3A_1071 : i32 to index
        %swap3A_1118 = arith.constant 32 : index
        %swap3A_1119 = tpu.vector_load %arg13[%swap3A_1116, %swap3A_1117, %swap3A_1118] {strides = array<i32>} : memref<3x64x64xf32, #tpu.memory_space<vmem>>, vector<1x1x16xf32>,
        %swap3A_1120 = vector.shape_cast %swap3A_1119 : vector<1x1x16xf32> to vector<16xf32>
        %swap3A_1121 = vector.shape_cast %mul3A_1115 : vector<16xf32> to vector<1x1x16xf32>
        tpu.vector_store %arg13[%swap3A_1116, %swap3A_1117, %swap3A_1118], %swap3A_1121 {strides = array<i32>} : memref<3x64x64xf32, #tpu.memory_space<vmem>>, vector<1x1x16xf32>,
        %mul3A_1122 = vector.broadcast %squeeze3A_1073 : f32 to vector<16xf32>
        %mul3A_1123 = arith.mulf %bitcast_convert_type3A_1113, %mul3A_1122 : vector<16xf32>
        %swap3A_1124 = arith.index_cast %select_n3A_214 : i32 to index
        %swap3A_1125 = arith.index_cast %add3A_1071 : i32 to index
        %swap3A_1126 = arith.constant 48 : index
        %swap3A_1127 = tpu.vector_load %arg13[%swap3A_1124, %swap3A_1125, %swap3A_1126] {strides = array<i32>} : memref<3x64x64xf32, #tpu.memory_space<vmem>>, vector<1x1x16xf32>,
        %swap3A_1128 = vector.shape_cast %swap3A_1127 : vector<1x1x16xf32> to vector<16xf32>
        %swap3A_1129 = vector.shape_cast %mul3A_1123 : vector<16xf32> to vector<1x1x16xf32>
        tpu.vector_store %arg13[%swap3A_1124, %swap3A_1125, %swap3A_1126], %swap3A_1129 {strides = array<i32>} : memref<3x64x64xf32, #tpu.memory_space<vmem>>, vector<1x1x16xf32>,
        %mul3A_1130 = arith.constant 16 : i32
        %mul3A_1131 = arith.muli %add3A_261, %mul3A_1130 : i32
        %add3A_1132 = arith.constant 14 : i32
        %add3A_1133 = arith.addi %mul3A_1131, %add3A_1132 : i32
        %slice3A_1134 = vector.extract_strided_slice %get3A_266 {offsets = [14], sizes = [1], strides = [1]} : vector<16xf32> to vector<1xf32>
        %squeeze3A_1135 = vector.extract %slice3A_1134[0] : f32 from vector<1xf32>
        %get3A_1136 = arith.index_cast %select_n3A_198 : i32 to index
        %get3A_1137 = arith.index_cast %add3A_1133 : i32 to index
        %get3A_1138 = arith.constant 0 : index
        %get3A_1139 = tpu.vector_load %arg12[%get3A_1136, %get3A_1137, %get3A_1138] {strides = array<i32>} : memref<6x64x32xi32, #tpu.memory_space<vmem>>, vector<1x1x16xi32>,
        %get3A_1140 = vector.shape_cast %get3A_1139 : vector<1x1x16xi32> to vector<16xi32>
        %shift_left3A_1141 = arith.constant 16 : i32
        %shift_left3A_1142 = vector.broadcast %shift_left3A_1141 : i32 to vector<16xi32>
        %shift_left3A_1143 = arith.shli %get3A_1140, %shift_left3A_1142 : vector<16xi32>
        %bitcast_convert_type3A_1144 = tpu.bitcast %shift_left3A_1143 : vector<16xi32> -> vector<16xf32>
        %and3A_1145 = vector.broadcast %scan3A_241 : i32 to vector<16xi32>
        %and3A_1146 = arith.andi %get3A_1140, %and3A_1145 : vector<16xi32>
        %bitcast_convert_type3A_1147 = tpu.bitcast %and3A_1146 : vector<16xi32> -> vector<16xf32>
        %mul3A_1148 = vector.broadcast %squeeze3A_1135 : f32 to vector<16xf32>
        %mul3A_1149 = arith.mulf %bitcast_convert_type3A_1144, %mul3A_1148 : vector<16xf32>
        %swap3A_1150 = arith.index_cast %select_n3A_214 : i32 to index
        %swap3A_1151 = arith.index_cast %add3A_1133 : i32 to index
        %swap3A_1152 = arith.constant 0 : index
        %swap3A_1153 = tpu.vector_load %arg13[%swap3A_1150, %swap3A_1151, %swap3A_1152] {strides = array<i32>} : memref<3x64x64xf32, #tpu.memory_space<vmem>>, vector<1x1x16xf32>,
        %swap3A_1154 = vector.shape_cast %swap3A_1153 : vector<1x1x16xf32> to vector<16xf32>
        %swap3A_1155 = vector.shape_cast %mul3A_1149 : vector<16xf32> to vector<1x1x16xf32>
        tpu.vector_store %arg13[%swap3A_1150, %swap3A_1151, %swap3A_1152], %swap3A_1155 {strides = array<i32>} : memref<3x64x64xf32, #tpu.memory_space<vmem>>, vector<1x1x16xf32>,
        %mul3A_1156 = vector.broadcast %squeeze3A_1135 : f32 to vector<16xf32>
        %mul3A_1157 = arith.mulf %bitcast_convert_type3A_1147, %mul3A_1156 : vector<16xf32>
        %swap3A_1158 = arith.index_cast %select_n3A_214 : i32 to index
        %swap3A_1159 = arith.index_cast %add3A_1133 : i32 to index
        %swap3A_1160 = arith.constant 16 : index
        %swap3A_1161 = tpu.vector_load %arg13[%swap3A_1158, %swap3A_1159, %swap3A_1160] {strides = array<i32>} : memref<3x64x64xf32, #tpu.memory_space<vmem>>, vector<1x1x16xf32>,
        %swap3A_1162 = vector.shape_cast %swap3A_1161 : vector<1x1x16xf32> to vector<16xf32>
        %swap3A_1163 = vector.shape_cast %mul3A_1157 : vector<16xf32> to vector<1x1x16xf32>
        tpu.vector_store %arg13[%swap3A_1158, %swap3A_1159, %swap3A_1160], %swap3A_1163 {strides = array<i32>} : memref<3x64x64xf32, #tpu.memory_space<vmem>>, vector<1x1x16xf32>,
        %get3A_1164 = arith.index_cast %select_n3A_198 : i32 to index
        %get3A_1165 = arith.index_cast %add3A_1133 : i32 to index
        %get3A_1166 = arith.constant 16 : index
        %get3A_1167 = tpu.vector_load %arg12[%get3A_1164, %get3A_1165, %get3A_1166] {strides = array<i32>} : memref<6x64x32xi32, #tpu.memory_space<vmem>>, vector<1x1x16xi32>,
        %get3A_1168 = vector.shape_cast %get3A_1167 : vector<1x1x16xi32> to vector<16xi32>
        %shift_left3A_1169 = arith.constant 16 : i32
        %shift_left3A_1170 = vector.broadcast %shift_left3A_1169 : i32 to vector<16xi32>
        %shift_left3A_1171 = arith.shli %get3A_1168, %shift_left3A_1170 : vector<16xi32>
        %bitcast_convert_type3A_1172 = tpu.bitcast %shift_left3A_1171 : vector<16xi32> -> vector<16xf32>
        %and3A_1173 = vector.broadcast %scan3A_241 : i32 to vector<16xi32>
        %and3A_1174 = arith.andi %get3A_1168, %and3A_1173 : vector<16xi32>
        %bitcast_convert_type3A_1175 = tpu.bitcast %and3A_1174 : vector<16xi32> -> vector<16xf32>
        %mul3A_1176 = vector.broadcast %squeeze3A_1135 : f32 to vector<16xf32>
        %mul3A_1177 = arith.mulf %bitcast_convert_type3A_1172, %mul3A_1176 : vector<16xf32>
        %swap3A_1178 = arith.index_cast %select_n3A_214 : i32 to index
        %swap3A_1179 = arith.index_cast %add3A_1133 : i32 to index
        %swap3A_1180 = arith.constant 32 : index
        %swap3A_1181 = tpu.vector_load %arg13[%swap3A_1178, %swap3A_1179, %swap3A_1180] {strides = array<i32>} : memref<3x64x64xf32, #tpu.memory_space<vmem>>, vector<1x1x16xf32>,
        %swap3A_1182 = vector.shape_cast %swap3A_1181 : vector<1x1x16xf32> to vector<16xf32>
        %swap3A_1183 = vector.shape_cast %mul3A_1177 : vector<16xf32> to vector<1x1x16xf32>
        tpu.vector_store %arg13[%swap3A_1178, %swap3A_1179, %swap3A_1180], %swap3A_1183 {strides = array<i32>} : memref<3x64x64xf32, #tpu.memory_space<vmem>>, vector<1x1x16xf32>,
        %mul3A_1184 = vector.broadcast %squeeze3A_1135 : f32 to vector<16xf32>
        %mul3A_1185 = arith.mulf %bitcast_convert_type3A_1175, %mul3A_1184 : vector<16xf32>
        %swap3A_1186 = arith.index_cast %select_n3A_214 : i32 to index
        %swap3A_1187 = arith.index_cast %add3A_1133 : i32 to index
        %swap3A_1188 = arith.constant 48 : index
        %swap3A_1189 = tpu.vector_load %arg13[%swap3A_1186, %swap3A_1187, %swap3A_1188] {strides = array<i32>} : memref<3x64x64xf32, #tpu.memory_space<vmem>>, vector<1x1x16xf32>,
        %swap3A_1190 = vector.shape_cast %swap3A_1189 : vector<1x1x16xf32> to vector<16xf32>
        %swap3A_1191 = vector.shape_cast %mul3A_1185 : vector<16xf32> to vector<1x1x16xf32>
        tpu.vector_store %arg13[%swap3A_1186, %swap3A_1187, %swap3A_1188], %swap3A_1191 {strides = array<i32>} : memref<3x64x64xf32, #tpu.memory_space<vmem>>, vector<1x1x16xf32>,
        %mul3A_1192 = arith.constant 16 : i32
        %mul3A_1193 = arith.muli %add3A_261, %mul3A_1192 : i32
        %add3A_1194 = arith.constant 15 : i32
        %add3A_1195 = arith.addi %mul3A_1193, %add3A_1194 : i32
        %slice3A_1196 = vector.extract_strided_slice %get3A_266 {offsets = [15], sizes = [1], strides = [1]} : vector<16xf32> to vector<1xf32>
        %squeeze3A_1197 = vector.extract %slice3A_1196[0] : f32 from vector<1xf32>
        %get3A_1198 = arith.index_cast %select_n3A_198 : i32 to index
        %get3A_1199 = arith.index_cast %add3A_1195 : i32 to index
        %get3A_1200 = arith.constant 0 : index
        %get3A_1201 = tpu.vector_load %arg12[%get3A_1198, %get3A_1199, %get3A_1200] {strides = array<i32>} : memref<6x64x32xi32, #tpu.memory_space<vmem>>, vector<1x1x16xi32>,
        %get3A_1202 = vector.shape_cast %get3A_1201 : vector<1x1x16xi32> to vector<16xi32>
        %shift_left3A_1203 = arith.constant 16 : i32
        %shift_left3A_1204 = vector.broadcast %shift_left3A_1203 : i32 to vector<16xi32>
        %shift_left3A_1205 = arith.shli %get3A_1202, %shift_left3A_1204 : vector<16xi32>
        %bitcast_convert_type3A_1206 = tpu.bitcast %shift_left3A_1205 : vector<16xi32> -> vector<16xf32>
        %and3A_1207 = vector.broadcast %scan3A_241 : i32 to vector<16xi32>
        %and3A_1208 = arith.andi %get3A_1202, %and3A_1207 : vector<16xi32>
        %bitcast_convert_type3A_1209 = tpu.bitcast %and3A_1208 : vector<16xi32> -> vector<16xf32>
        %mul3A_1210 = vector.broadcast %squeeze3A_1197 : f32 to vector<16xf32>
        %mul3A_1211 = arith.mulf %bitcast_convert_type3A_1206, %mul3A_1210 : vector<16xf32>
        %swap3A_1212 = arith.index_cast %select_n3A_214 : i32 to index
        %swap3A_1213 = arith.index_cast %add3A_1195 : i32 to index
        %swap3A_1214 = arith.constant 0 : index
        %swap3A_1215 = tpu.vector_load %arg13[%swap3A_1212, %swap3A_1213, %swap3A_1214] {strides = array<i32>} : memref<3x64x64xf32, #tpu.memory_space<vmem>>, vector<1x1x16xf32>,
        %swap3A_1216 = vector.shape_cast %swap3A_1215 : vector<1x1x16xf32> to vector<16xf32>
        %swap3A_1217 = vector.shape_cast %mul3A_1211 : vector<16xf32> to vector<1x1x16xf32>
        tpu.vector_store %arg13[%swap3A_1212, %swap3A_1213, %swap3A_1214], %swap3A_1217 {strides = array<i32>} : memref<3x64x64xf32, #tpu.memory_space<vmem>>, vector<1x1x16xf32>,
        %mul3A_1218 = vector.broadcast %squeeze3A_1197 : f32 to vector<16xf32>
        %mul3A_1219 = arith.mulf %bitcast_convert_type3A_1209, %mul3A_1218 : vector<16xf32>
        %swap3A_1220 = arith.index_cast %select_n3A_214 : i32 to index
        %swap3A_1221 = arith.index_cast %add3A_1195 : i32 to index
        %swap3A_1222 = arith.constant 16 : index
        %swap3A_1223 = tpu.vector_load %arg13[%swap3A_1220, %swap3A_1221, %swap3A_1222] {strides = array<i32>} : memref<3x64x64xf32, #tpu.memory_space<vmem>>, vector<1x1x16xf32>,
        %swap3A_1224 = vector.shape_cast %swap3A_1223 : vector<1x1x16xf32> to vector<16xf32>
        %swap3A_1225 = vector.shape_cast %mul3A_1219 : vector<16xf32> to vector<1x1x16xf32>
        tpu.vector_store %arg13[%swap3A_1220, %swap3A_1221, %swap3A_1222], %swap3A_1225 {strides = array<i32>} : memref<3x64x64xf32, #tpu.memory_space<vmem>>, vector<1x1x16xf32>,
        %get3A_1226 = arith.index_cast %select_n3A_198 : i32 to index
        %get3A_1227 = arith.index_cast %add3A_1195 : i32 to index
        %get3A_1228 = arith.constant 16 : index
        %get3A_1229 = tpu.vector_load %arg12[%get3A_1226, %get3A_1227, %get3A_1228] {strides = array<i32>} : memref<6x64x32xi32, #tpu.memory_space<vmem>>, vector<1x1x16xi32>,
        %get3A_1230 = vector.shape_cast %get3A_1229 : vector<1x1x16xi32> to vector<16xi32>
        %shift_left3A_1231 = arith.constant 16 : i32
        %shift_left3A_1232 = vector.broadcast %shift_left3A_1231 : i32 to vector<16xi32>
        %shift_left3A_1233 = arith.shli %get3A_1230, %shift_left3A_1232 : vector<16xi32>
        %bitcast_convert_type3A_1234 = tpu.bitcast %shift_left3A_1233 : vector<16xi32> -> vector<16xf32>
        %and3A_1235 = vector.broadcast %scan3A_241 : i32 to vector<16xi32>
        %and3A_1236 = arith.andi %get3A_1230, %and3A_1235 : vector<16xi32>
        %bitcast_convert_type3A_1237 = tpu.bitcast %and3A_1236 : vector<16xi32> -> vector<16xf32>
        %mul3A_1238 = vector.broadcast %squeeze3A_1197 : f32 to vector<16xf32>
        %mul3A_1239 = arith.mulf %bitcast_convert_type3A_1234, %mul3A_1238 : vector<16xf32>
        %swap3A_1240 = arith.index_cast %select_n3A_214 : i32 to index
        %swap3A_1241 = arith.index_cast %add3A_1195 : i32 to index
        %swap3A_1242 = arith.constant 32 : index
        %swap3A_1243 = tpu.vector_load %arg13[%swap3A_1240, %swap3A_1241, %swap3A_1242] {strides = array<i32>} : memref<3x64x64xf32, #tpu.memory_space<vmem>>, vector<1x1x16xf32>,
        %swap3A_1244 = vector.shape_cast %swap3A_1243 : vector<1x1x16xf32> to vector<16xf32>
        %swap3A_1245 = vector.shape_cast %mul3A_1239 : vector<16xf32> to vector<1x1x16xf32>
        tpu.vector_store %arg13[%swap3A_1240, %swap3A_1241, %swap3A_1242], %swap3A_1245 {strides = array<i32>} : memref<3x64x64xf32, #tpu.memory_space<vmem>>, vector<1x1x16xf32>,
        %mul3A_1246 = vector.broadcast %squeeze3A_1197 : f32 to vector<16xf32>
        %mul3A_1247 = arith.mulf %bitcast_convert_type3A_1237, %mul3A_1246 : vector<16xf32>
        %swap3A_1248 = arith.index_cast %select_n3A_214 : i32 to index
        %swap3A_1249 = arith.index_cast %add3A_1195 : i32 to index
        %swap3A_1250 = arith.constant 48 : index
        %swap3A_1251 = tpu.vector_load %arg13[%swap3A_1248, %swap3A_1249, %swap3A_1250] {strides = array<i32>} : memref<3x64x64xf32, #tpu.memory_space<vmem>>, vector<1x1x16xf32>,
        %swap3A_1252 = vector.shape_cast %swap3A_1251 : vector<1x1x16xf32> to vector<16xf32>
        %swap3A_1253 = vector.shape_cast %mul3A_1247 : vector<16xf32> to vector<1x1x16xf32>
        tpu.vector_store %arg13[%swap3A_1248, %swap3A_1249, %swap3A_1250], %swap3A_1253 {strides = array<i32>} : memref<3x64x64xf32, #tpu.memory_space<vmem>>, vector<1x1x16xf32>,
      }
      %scan3A_246 = arith.constant 4 : i32
      %dma_start3A_247 = arith.constant 0 : i32
      %dma_start3A_248 = arith.constant 0 : i32
      %dma_start3A_249 = tpu.memref_slice %arg13[%select_n3A_214, %dma_start3A_247, %dma_start3A_248] : memref<3x64x64xf32, #tpu.memory_space<vmem>> -> memref<1x64x64xf32, #tpu.memory_space<vmem>>
      %dma_start3A_250 = tpu.memref_squeeze %dma_start3A_249 : memref<1x64x64xf32, #tpu.memory_space<vmem>> -> memref<64x64xf32, #tpu.memory_space<vmem>>
      %dma_start3A_251 = arith.constant 0 : i32
      %dma_start3A_252 = tpu.memref_slice %arg10[%select_n3A_230, %dma_start3A_251] : memref<24x64xi32, #tpu.memory_space<vmem>> -> memref<1x64xi32, #tpu.memory_space<vmem>>
      %dma_start3A_253 = tpu.memref_squeeze %dma_start3A_252 : memref<1x64xi32, #tpu.memory_space<vmem>> -> memref<64xi32, #tpu.memory_space<vmem>>
      %dma_start3A_254 = arith.constant 0 : i32
      %dma_start3A_255 = arith.constant 0 : i32
      %dma_start3A_256 = tpu.memref_slice %arg8[%dma_start3A_254, %dma_start3A_255] : memref<25088x64xf32, #tpu.memory_space<vmem_shared>> -> memref<25088x64xf32, #tpu.memory_space<vmem_shared>>
      tpu.enqueue_indirect_dma source(%dma_start3A_250 : memref<64x64xf32, #tpu.memory_space<vmem>>) target(%dma_start3A_256 : memref<25088x64xf32, #tpu.memory_space<vmem_shared>>) offsets(%dma_start3A_253 : memref<64xi32, #tpu.memory_space<vmem>>) semaphore(%arg16 : memref<!tpu.dma_semaphore, #tpu.memory_space<semaphore_mem>>) {add = true}
    }
    %scan3A_92 = arith.constant 784 : i32
    %dma_wait3A = arith.constant 2 : i32
    %dma_wait3A_93 = arith.constant 0 : i32
    %dma_wait3A_94 = arith.constant 0 : i32
    %dma_wait3A_95 = tpu.memref_slice %arg13[%dma_wait3A, %dma_wait3A_93, %dma_wait3A_94] : memref<3x64x64xf32, #tpu.memory_space<vmem>> -> memref<1x64x64xf32, #tpu.memory_space<vmem>>
    %dma_wait3A_96 = tpu.memref_squeeze %dma_wait3A_95 : memref<1x64x64xf32, #tpu.memory_space<vmem>> -> memref<64x64xf32, #tpu.memory_space<vmem>>
    %dma_wait3A_97 = arith.constant 0 : i32
    %dma_wait3A_98 = arith.constant 0 : i32
    %dma_wait3A_99 = tpu.memref_slice %arg6[%dma_wait3A_97, %dma_wait3A_98] : memref<1568x64xf32, #tpu.memory_space<hbm>> -> memref<64x64xf32, #tpu.memory_space<hbm>>
    %dma_wait3A_100 = arith.constant 0 : i32
    %dma_wait3A_101 = arith.constant 0 : i32
    %dma_wait3A_102 = tpu.memref_slice %arg13[%dma_wait3A, %dma_wait3A_100, %dma_wait3A_101] : memref<3x64x64xf32, #tpu.memory_space<vmem>> -> memref<1x64x64xf32, #tpu.memory_space<vmem>>
    %dma_wait3A_103 = tpu.memref_squeeze %dma_wait3A_102 : memref<1x64x64xf32, #tpu.memory_space<vmem>> -> memref<64x64xf32, #tpu.memory_space<vmem>>
    %dma_wait3A_104 = arith.constant 0 : i32
    %dma_wait3A_105 = arith.constant 0 : i32
    %dma_wait3A_106 = tpu.memref_slice %arg6[%dma_wait3A_104, %dma_wait3A_105] : memref<1568x64xf32, #tpu.memory_space<hbm>> -> memref<64x64xf32, #tpu.memory_space<hbm>>
    tpu.wait_dma2 semaphore(%arg16 : memref<!tpu.dma_semaphore, #tpu.memory_space<semaphore_mem>>) src(%dma_wait3A_106 : memref<64x64xf32, #tpu.memory_space<hbm>>) dst(%dma_wait3A_103 : memref<64x64xf32, #tpu.memory_space<vmem>>)
    %dma_wait3A_107 = arith.constant 0 : i32
    %dma_wait3A_108 = arith.constant 0 : i32
    %dma_wait3A_109 = arith.constant 0 : i32
    %dma_wait3A_110 = tpu.memref_slice %arg13[%dma_wait3A_107, %dma_wait3A_108, %dma_wait3A_109] : memref<3x64x64xf32, #tpu.memory_space<vmem>> -> memref<1x64x64xf32, #tpu.memory_space<vmem>>
    %dma_wait3A_111 = tpu.memref_squeeze %dma_wait3A_110 : memref<1x64x64xf32, #tpu.memory_space<vmem>> -> memref<64x64xf32, #tpu.memory_space<vmem>>
    %dma_wait3A_112 = arith.constant 0 : i32
    %dma_wait3A_113 = arith.constant 0 : i32
    %dma_wait3A_114 = tpu.memref_slice %arg6[%dma_wait3A_112, %dma_wait3A_113] : memref<1568x64xf32, #tpu.memory_space<hbm>> -> memref<64x64xf32, #tpu.memory_space<hbm>>
    %dma_wait3A_115 = arith.constant 0 : i32
    %dma_wait3A_116 = arith.constant 0 : i32
    %dma_wait3A_117 = tpu.memref_slice %arg13[%dma_wait3A_107, %dma_wait3A_115, %dma_wait3A_116] : memref<3x64x64xf32, #tpu.memory_space<vmem>> -> memref<1x64x64xf32, #tpu.memory_space<vmem>>
    %dma_wait3A_118 = tpu.memref_squeeze %dma_wait3A_117 : memref<1x64x64xf32, #tpu.memory_space<vmem>> -> memref<64x64xf32, #tpu.memory_space<vmem>>
    %dma_wait3A_119 = arith.constant 0 : i32
    %dma_wait3A_120 = arith.constant 0 : i32
    %dma_wait3A_121 = tpu.memref_slice %arg6[%dma_wait3A_119, %dma_wait3A_120] : memref<1568x64xf32, #tpu.memory_space<hbm>> -> memref<64x64xf32, #tpu.memory_space<hbm>>
    tpu.wait_dma2 semaphore(%arg16 : memref<!tpu.dma_semaphore, #tpu.memory_space<semaphore_mem>>) src(%dma_wait3A_121 : memref<64x64xf32, #tpu.memory_space<hbm>>) dst(%dma_wait3A_118 : memref<64x64xf32, #tpu.memory_space<vmem>>)
    %barrier3A_122 = arith.constant 0 : index
    tpu.barrier barrier_id(%barrier3A_122)
    %mul3A_123 = arith.constant 1560 : i32
    %mul3A_124 = arith.muli %arg1, %mul3A_123 : i32
    %mul3A_125 = arith.constant 1560 : i32
    %mul3A_126 = arith.muli %arg1, %mul3A_125 : i32
    %add3A_127 = arith.addi %mul3A_0, %mul3A_126 : i32
    "tpu.region"() ({
      %run_scoped3A = tpu.sem_alloc : memref<!tpu.dma_semaphore, #tpu.memory_space<semaphore_mem>>
      %dma_start3A_130 = arith.constant 0 : i32
      %dma_start3A_131 = tpu.memref_slice %arg7[%add3A_127, %dma_start3A_130] : memref<50000x64xf32, #tpu.memory_space<hbm>> -> memref<1560x64xf32, #tpu.memory_space<hbm>>
      %dma_start3A_132 = arith.constant 0 : i32
      %dma_start3A_133 = tpu.memref_slice %arg8[%mul3A_124, %dma_start3A_132] : memref<25088x64xf32, #tpu.memory_space<vmem_shared>> -> memref<1560x64xf32, #tpu.memory_space<vmem_shared>>
      tpu.enqueue_dma source(%dma_start3A_133 : memref<1560x64xf32, #tpu.memory_space<vmem_shared>>) target(%dma_start3A_131 : memref<1560x64xf32, #tpu.memory_space<hbm>>) target_semaphore(%run_scoped3A : memref<!tpu.dma_semaphore, #tpu.memory_space<semaphore_mem>>)
      %dma_wait3A_134 = arith.constant 0 : i32
      %dma_wait3A_135 = tpu.memref_slice %arg7[%add3A_127, %dma_wait3A_134] : memref<50000x64xf32, #tpu.memory_space<hbm>> -> memref<1560x64xf32, #tpu.memory_space<hbm>>
      %dma_wait3A_136 = arith.constant 0 : i32
      %dma_wait3A_137 = tpu.memref_slice %arg8[%mul3A_124, %dma_wait3A_136] : memref<25088x64xf32, #tpu.memory_space<vmem_shared>> -> memref<1560x64xf32, #tpu.memory_space<vmem_shared>>
      tpu.wait_dma2 semaphore(%run_scoped3A : memref<!tpu.dma_semaphore, #tpu.memory_space<semaphore_mem>>) src(%dma_wait3A_137 : memref<1560x64xf32, #tpu.memory_space<vmem_shared>>) dst(%dma_wait3A_135 : memref<1560x64xf32, #tpu.memory_space<hbm>>)
      tpu.yield
    }) : () -> ()
    %eq3A = arith.constant 0 : i32
    %eq3A_128 = arith.cmpi eq, %arg1, %eq3A : i32
    %convert_element_type3A = arith.extui %eq3A_128 : i1 to i32
    %cond3A = arith.constant 0 : i32
    %cond3A_129 = arith.cmpi ne, %convert_element_type3A, %cond3A : i32
    scf.if %cond3A_129 {
      %add3A_130 = arith.constant 24960 : i32
      %add3A_131 = arith.addi %mul3A_0, %add3A_130 : i32
      "tpu.region"() ({
        %run_scoped3A = tpu.sem_alloc : memref<!tpu.dma_semaphore, #tpu.memory_space<semaphore_mem>>
        %dma_start3A_132 = arith.constant 0 : i32
        %dma_start3A_133 = tpu.memref_slice %arg7[%add3A_131, %dma_start3A_132] : memref<50000x64xf32, #tpu.memory_space<hbm>> -> memref<40x64xf32, #tpu.memory_space<hbm>>
        %dma_start3A_134 = arith.constant 24960 : i32
        %dma_start3A_135 = arith.constant 0 : i32
        %dma_start3A_136 = tpu.memref_slice %arg8[%dma_start3A_134, %dma_start3A_135] : memref<25088x64xf32, #tpu.memory_space<vmem_shared>> -> memref<40x64xf32, #tpu.memory_space<vmem_shared>>
        tpu.enqueue_dma source(%dma_start3A_136 : memref<40x64xf32, #tpu.memory_space<vmem_shared>>) target(%dma_start3A_133 : memref<40x64xf32, #tpu.memory_space<hbm>>) target_semaphore(%run_scoped3A : memref<!tpu.dma_semaphore, #tpu.memory_space<semaphore_mem>>)
        %dma_wait3A_137 = arith.constant 0 : i32
        %dma_wait3A_138 = tpu.memref_slice %arg7[%add3A_131, %dma_wait3A_137] : memref<50000x64xf32, #tpu.memory_space<hbm>> -> memref<40x64xf32, #tpu.memory_space<hbm>>
        %dma_wait3A_139 = arith.constant 24960 : i32
        %dma_wait3A_140 = arith.constant 0 : i32
        %dma_wait3A_141 = tpu.memref_slice %arg8[%dma_wait3A_139, %dma_wait3A_140] : memref<25088x64xf32, #tpu.memory_space<vmem_shared>> -> memref<40x64xf32, #tpu.memory_space<vmem_shared>>
        tpu.wait_dma2 semaphore(%run_scoped3A : memref<!tpu.dma_semaphore, #tpu.memory_space<semaphore_mem>>) src(%dma_wait3A_141 : memref<40x64xf32, #tpu.memory_space<vmem_shared>>) dst(%dma_wait3A_138 : memref<40x64xf32, #tpu.memory_space<hbm>>)
        tpu.yield
      }) : () -> ()
    } else {
    }
    return
  }
}

</mosaic_0001>

<sc_bundles>
// kernel: kernel.3.cloned.1.call-start
scs
__scs_entry_jumppad:
0x0: {  	(pc) =	sbr.rel $0x88, $3  }
0x1: {  	(tag) =	ssettag $0x0;
	lr =	simm.s32 $0x1  }
0x2: {  	[smem:$0x3F9E] =	sst lr;
	_ =	strace $0xD0000000  }
0x3: {  	_ = 	snop  }
0x4: {  	_ = 	snop  }
0x5: {  	_ = 	snop  }
0x6: {  	_ = 	snop  }
0x7: {  	_ = 	snop  }
__scs_overlays_trampoline_lowered:
0x8: {  	[smem:$0x3FAD] =	sst s0  }
0x9: {  	[smem:$0x3FAE] =	sst s1  }
0xa: {  	[smem:$0x3FAF] =	sst s2  }
0xb: {  	[smem:$0x3FB0] =	sst s3  }
0xc: {  	[smem:$0x3FB1] =	sst s4  }
0xd: {  	[smem:$0x3FB2] =	sst s5  }
0xe: {  	[smem:$0x3FB3] =	sst s6  }
0xf: {  	[smem:$0x3FB4] =	sst s7  }
0x10: {  	[smem:$0x3FB5] =	sst s8  }
0x11: {  	[smem:$0x3FB6] =	sst s9;
	s0 =	simm.s32 @!p0 $0x0  }
0x12: {  	s1 =	sld [smem:$0x3F9C];
	s0 =	simm.s32 @p0 $0x1  }
0x13: {  	[smem:$0x3FB7] =	sst s0;
	s0 =	simm.s32 @!p1 $0x0  }
0x14: {  	s2 =	sld [smem:$0x3F9B];
	s0 =	simm.s32 @p1 $0x1  }
0x15: {  	[smem:$0x3FB8] =	sst s0;
	s0 =	simm.s32 @!p2 $0x0  }
0x16: {  	s3 =	sld [smem:$0x3FDB];
	s0 =	simm.s32 @p2 $0x1  }
0x17: {  	s4 =	simm.s32 $0x1BF5;
	[smem:$0x3FBA] =	sst s0  }
0x18: {  	s0 =	sld [smem:$0x3F9D];
	_ =	swait.ge [sflag:s4], $0x0  }
0x19: {  	s7 =	sld [smem:$0x3F9E]  }
0x1a: {  	s8 =	sadd.s32 $0xFFFFE003, lr  }
0x1b: {  	s9 =	sadd.s32 $0xFFFFFEF7, lr;
	s5 =	simm.s32 $0xFFFFFFFF;
	p2 =	slt.u32 s8, $0xFFFFF086  }
0x1c: {  	p1 =	slt.u32 s9, $0xF7A;
	s5 =	simm.s32 @!p2 $0x0  }
0x1d: {  	s5 =	simm.s32 @p1 $0x1;
	p0 =	seq.s32 s7, s2  }
0x1e: {  	s7 =	smul.u32 @!p0 $0xF7A, s2;
	p2 =	seq.s32 @!p0 s5, $0x0  }
0x1f: {  	s9 =	smul.u32 $0xF7A, s1;
	s8 =	simm.s32 @!p0 $0x1BF5;
	p2 =	por !p2, p0  }
0x20: {  	[sflag:s8] =	ssyncset.s32 @!p0 $0xFFFFF086;
	s6 =	sadd.s32 @!p0 s3, s7;
	s7 =	simm.s32 @!p0 $0x108  }
0x21: {  	s3 =	sadd.s32 s3, s9;
	s6 =	sadd.s32 @!p0 $0x88, s6;
	s7 =	simm.s32 @p2 $0x1082  }
0x22: {  	[simem:s7], [sflag:s8] =	dma.local @!p0 [hbm:s6], $0xF7A  }
0x23: {  	s9 =	sor.u32 $0xD0000000, s2;
	s6 =	simm.s32 $0x108;
	_ =	swait.ge @!p0 [sflag:s8], $0x0  }
0x24: {  	s3 =	sadd.s32 $0x88, s3;
	s6 =	simm.s32 @!p1 $0x1082;
	[sflag:s4] =	ssyncset.s32 $0xFFFFF086  }
0x25: {  	[simem:s6], [sflag:s4] =	dma.local [hbm:s3], $0xF7A  }
0x26: {  	[smem:$0x3F9E] =	sst s1;
	(tag) =	ssettag s2;
	_ =	strace s9  }
0x27: {  	s1 =	sld [smem:$0x3FAE]  }
0x28: {  	s2 =	sld [smem:$0x3FAF]  }
0x29: {  	s4 =	sld [smem:$0x3FB1]  }
0x2a: {  	p0 =	seq.s32 s5, $0x0;
	s5 =	sld [smem:$0x3FB2]  }
0x2b: {  	s6 =	sld [smem:$0x3FB3]  }
0x2c: {  	s7 =	sld [smem:$0x3FB4]  }
0x2d: {  	s3 =	simm.s32 $0x108;
	s8 =	sld [smem:$0x3FB5]  }
0x2e: {  	s3 =	simm.s32 @!p0 $0x1082;
	s9 =	sld [smem:$0x3FB6]  }
0x2f: {  	lr =	sadd.s32 s0, s3;
	s0 =	sld [smem:$0x3FAD]  }
0x30: {  	s3 =	sld [smem:$0x3FB0]  }
0x31: {  	[smem:$0x3FB9] =	sst s10  }
0x32: {  	s10 =	sld [smem:$0x3FB7];
	_ =	sdelay $0x3  }
0x33: {  	p0 =	seq.s32 s10, $0x1;
	s10 =	sld [smem:$0x3FB9];
	_ =	sdelay $0x3  }
0x34: {  	[smem:$0x3FB9] =	sst s10  }
0x35: {  	s10 =	sld [smem:$0x3FB8];
	_ =	sdelay $0x3  }
0x36: {  	p1 =	seq.s32 s10, $0x1;
	s10 =	sld [smem:$0x3FB9];
	_ =	sdelay $0x3  }
0x37: {  	[smem:$0x3FB9] =	sst s10  }
0x38: {  	s10 =	sld [smem:$0x3FBA]  }
0x39: {  	_ = 	snop;
	(pc) =	sbr.ind lr, $3  }
0x3a: {  	_ = 	snop  }
0x3b: {  	_ = 	snop  }
0x3c: {  	p2 =	seq.s32 s10, $0x1;
	s10 =	sld [smem:$0x3FB9]  }
0x3d: {  	_ =	shalt  }
0x3e: {  	_ =	shalt  }
0x3f: {  	_ =	shalt  }
0x40: {  	_ =	shalt  }
0x41: {  	_ =	shalt  }
0x42: {  	_ =	shalt  }
0x43: {  	_ =	shalt  }
0x44: {  	_ =	shalt  }
0x45: {  	_ =	shalt  }
0x46: {  	_ =	shalt  }
0x47: {  	_ =	shalt  }
0x48: {  	_ =	shalt  }
0x49: {  	_ =	shalt  }
0x4a: {  	_ =	shalt  }
0x4b: {  	_ =	shalt  }
0x4c: {  	_ =	shalt  }
0x4d: {  	_ =	shalt  }
0x4e: {  	_ =	shalt  }
0x4f: {  	_ =	shalt  }
0x50: {  	_ =	shalt  }
0x51: {  	_ =	shalt  }
0x52: {  	_ =	shalt  }
0x53: {  	_ =	shalt  }
0x54: {  	_ =	shalt  }
0x55: {  	_ =	shalt  }
0x56: {  	_ =	shalt  }
0x57: {  	_ =	shalt  }
0x58: {  	_ =	shalt  }
0x59: {  	_ =	shalt  }
0x5a: {  	_ =	shalt  }
0x5b: {  	_ =	shalt  }
0x5c: {  	_ =	shalt  }
0x5d: {  	_ =	shalt  }
0x5e: {  	_ =	shalt  }
0x5f: {  	_ =	shalt  }
0x60: {  	_ =	shalt  }
0x61: {  	_ =	shalt  }
0x62: {  	_ =	shalt  }
0x63: {  	_ =	shalt  }
0x64: {  	_ =	shalt  }
0x65: {  	_ =	shalt  }
0x66: {  	_ =	shalt  }
0x67: {  	_ =	shalt  }
0x68: {  	_ =	shalt  }
0x69: {  	_ =	shalt  }
0x6a: {  	_ =	shalt  }
0x6b: {  	_ =	shalt  }
0x6c: {  	_ =	shalt  }
0x6d: {  	_ =	shalt  }
0x6e: {  	_ =	shalt  }
0x6f: {  	_ =	shalt  }
0x70: {  	_ =	shalt  }
0x71: {  	_ =	shalt  }
0x72: {  	_ =	shalt  }
0x73: {  	_ =	shalt  }
0x74: {  	_ =	shalt  }
0x75: {  	_ =	shalt  }
0x76: {  	_ =	shalt  }
0x77: {  	_ =	shalt  }
0x78: {  	_ =	shalt  }
0x79: {  	_ =	shalt  }
0x7a: {  	_ =	shalt  }
0x7b: {  	_ =	shalt  }
0x7c: {  	_ =	shalt  }
0x7d: {  	_ =	shalt  }
0x7e: {  	_ =	shalt  }
0x7f: {  	_ =	shalt  }
0x80: {  	_ =	shalt  }
0x81: {  	_ =	shalt  }
0x82: {  	_ =	shalt  }
0x83: {  	_ =	shalt  }
0x84: {  	_ =	shalt  }
0x85: {  	_ =	shalt  }
0x86: {  	_ =	shalt  }
0x87: {  	_ =	shalt  }
.Lfunc_end0:
.L_simem_size_0:
called_computation_lowered:
.L_overlay_start_0:
0x88: {  	s2 =	sld [smem:$0x3FD9]  }
0x89: {  	s3 =	sld [smem:$0x3FFE];
	_ =	sdelay $0x1  }
0x8a: {  	s1 =	srdreg.scid  }
0x8b: {  	s0 =	sand.u32 $0x1, s1  }
0x8c: {  	s17 =	sshll.u32 s0, $0xA;
	s2 =	sadd.s32 s3, s2  }
0x8d: {  	s2 =	sadd.s32 s2, s17  }
0x8e: {  	[smem:$0x3FC5] =	sst s2  }
0x8f: {  	_ = 	snop  }
0x90: {  	s2 =	sld [smem:$0x3FD0];
	(tm) =	ssettm $0x1  }
0x91: {  	s18 =	sld [smem:$0x3FFB];
	_ =	sdelay $0x3  }
0x92: {  	_ =	strace s18  }
0x93: {  	s3 =	sld [smem:$0x3FFC];
	_ =	sdelay $0x3  }
0x94: {  	_ =	strace s3  }
0x95: {  	s3 =	sld [smem:$0x3FFD];
	_ =	sdelay $0x3  }
0x96: {  	_ =	strace s3  }
0x97: {  	_ =	strace $0x8FFFFFFF  }
0x98: {  	s19 =	sld [smem:$0x3FDB];
	_ =	sdelay $0x1  }
0x99: {  	s4 =	simm.s32 $_scs_section_size  }
0x9a: {  	s5 =	simm.s32 $_size__tile_overlayer_lowered;
	s6 =	simm.s32 $_tile_overlayer_lowered  }
0x9b: {  	s22 =	simm.s32 $0x1BFF;
	s21 =	sshll.u32 s6, $0x1;
	s3 =	sadd.s32 s4, s19  }
0x9c: {  	s7 =	simm.s32 $0x0;
	s20 =	sshll.u32 s5, $0x1;
	s5 =	sadd.s32 s21, s3  }
0x9d: {  	[timem:s7], [sflag:s22] =	dma.local [hbm:s5], s20  }
0x9e: {  	_ =	swait.ge [sflag:s22], s20  }
0x9f: {  	s4 =	ssub.s32 $0x0, s20;
	[sflag:s22] =	ssyncset.done $0x0  }
0xa0: {  	[sflag:s22] =	ssyncadd.s32 s4;
	_ =	sdelay $0x1  }
0xa1: {  	s23 =	simm.s32 $0x1B8B  }
0xa2: {  	_ =	swait.ge [sflag:s23], $0x1  }
0xa3: {  	[sflag:s23] =	ssyncset.done $0x0  }
0xa4: {  	s25 =	simm.s32 $0x1B8E;
	s24 =	sld [smem:$0x3FFE];
	[sflag:s23] =	ssyncadd.s32 $0xFFFFFFFF  }
0xa5: {  	s26 =	simm.s32 $execute0_lowered;
	[smem:$0x3FD2] =	sst s25  }
0xa6: {  	s5 =	sshll.u32 s26, $0x1;
	_ =	strace $0x80000046;
	[dreg:$0x1] =	wrdreg $0xFFFFFFFF  }
0xa7: {  	s28 =	simm.s32 $_size_execute0_lowered;
	s3 =	sadd.s32 s3, s5;
	[dreg:$0x0] =	wrdreg $0x0  }
0xa8: {  	s5 =	sshll.u32 s28, $0x1;
	[dreg:$0x2] =	wrdreg s3  }
0xa9: {  	[dreg:$0x3] =	wrdreg s5  }
0xaa: {  	[dreg:$0x4] =	wrdreg $0xC0  }
0xab: {  	_ =	task [dreg:s7], $0x5FFFF  }
0xac: {  	[dreg:$0x1] =	wrdreg $0xFFFFFFFF  }
0xad: {  	[dreg:$0x0] =	wrdreg $0x60  }
0xae: {  	[dreg:$0x2] =	wrdreg s2  }
0xaf: {  	[dreg:$0x3] =	wrdreg s24  }
0xb0: {  	[dreg:$0x4] =	wrdreg $0x0  }
0xb1: {  	[dreg:$0x5] =	wrdreg $0x9  }
0xb2: {  	_ =	task.clear_ibuf [dreg:s7], $0x6FFFF;
	_ =	strace $0x90000046  }
0xb3: {  	s29 =	simm.s32 $0x9;
	_ =	strace $0x80000048  }
0xb4: {  	_ =	swait.ge [sflag:s29], $0x1  }
0xb5: {  	[sflag:s29] =	ssyncadd.s32 $0xFFFFFFFF  }
0xb6: {  	_ =	strace $0x90000048  }
0xb7: {  	_ =	sfence  }
0xb8: {  	s30 =	sld [smem:$0x0];
	_ =	sdelay $0x2  }
0xb9: {  	s31 =	sshll.u32 s1, $0xD;
	s1 =	sshrl.u32 s1, $0x2  }
0xba: {  	s3 =	sand.u32 $0x4000, s31;
	s1 =	sadd.s32 s1, s30  }
0xbb: {  	s0 =	sor.u32 s3, s0;
	s1 =	sshll.u32 s1, $0x11  }
0xbc: {  	s0 =	sor.u32 s1, s0  }
0xbd: {  	s0 =	sadd.s32 $0x8F2B, s0  }
0xbe: {  	[sflag:s0] =	ssyncadd.remote.s32 $0x1  }
0xbf: {  	_ =	sfence.sel $0xFFFF  }
0xc0: {  	[dreg:$0x0] =	wrdreg $0xFFFFFFFF;
	(pc) =	sbr.abs _section_cstart, $3  }
0xc1: {  	[dreg:$0x1] =	wrdreg $0xFFFFFFFF  }
0xc2: {  	_ =	task.clear_ibuf [dreg:s7], $0x2FFFF;
	_ =	strace $0x9FFFFFFF  }
0xc3: {  	(tm) =	ssettm $0x7FFFFFFF  }
tec
execute0_lowered:
.L_overlay_start_1:
0x0: {  	(tag) =	ssettag $0x1  }
0x1: {  	s1 =	rddreg [dreg:$0x0]  }
0x2: {  	s0 =	rddreg [dreg:$0x1]  }
0x3: {  	s2 =	rddreg [dreg:$0x2]  }
0x4: {  	s3 =	simm.s32 $0x0;
	s6 =	srdreg.scid;
	s7 =	stileid.u32  }
0x5: {  	s28 =	simm.s32 $0x18800;
	s29 =	simm.s32 $0x40;
	s31 =	simm.s32 $0x1  }
0x6: {  	s30 =	simm.s32 $0x3;
	[smem:$0x7FF] =	sst s3;
	s4 =	sadd.s32 $0x31200, s0  }
0x7: {  	s5 =	sadd.s32 $0x200, s0;
	s11 =	sand.u32 $0x1, s6;
	s10 =	smul.u32 $0x62000, s7  }
0x8: {  	s6 =	sadd.s32 $0x49A00, s0;
	s8 =	sadd.s32 $0x62200, s0;
	s19 =	smul.u32 $0x30C0, s7  }
0x9: {  	s0 =	sadd.s32 $0x65400, s0;
	s14 =	sshll.u32 s7, $0x6;
	s22 =	smul.u32 $0x61800, s7  }
0xa: {  	_ =	strace $0x80000047;
	[dreg:$0x4] =	wrdreg s8;
	s8 =	smul.u32 $0xC400, s7  }
0xb: {  	p0 =	sne.s32 s7, $0x0;
	s9 =	ssub.s32 $0x2, s11;
	s13 =	smul.u32 $0x30D40, s11  }
0xc: {  	s7 =	simm.s32 $0x0;
	s12 =	sshrl.u32 s9, $0x1;
	s10 =	sshrl.u32 s10, $0x2  }
0xd: {  	s12 =	ssub.s32 s9, s12;
	s9 =	smul.u32 $0xC4000, s11;
	s15 =	sadd.s32 s10, s2  }
0xe: {  	s10 =	sor.u32 $0x1C04, s14;
	s16 =	sshrl.u32 s8, $0x3;
	s17 =	sor.u32 $0x200, s8  }
0xf: {  	s20 =	sadd.s32 $0x400, s8;
	s11 =	smul.u32 $0x186A00, s11;
	s13 =	sadd.s32 s19, s13  }
0x10: {  	s18 =	sadd.s32 s4, s16;
	s16 =	sadd.s32 s6, s16;
	s21 =	sshrl.u32 s20, $0x3  }
0x11: {  	s13 =	sadd.s32 s0, s13;
	s25 =	sadd.s32 s8, s9;
	[dreg:$0x5] =	wrdreg s18  }
0x12: {  	s26 =	sadd.s32 s9, s17;
	[dreg:$0x7] =	wrdreg s16;
	s18 =	sshrl.u32 s17, $0x3  }
0x13: {  	[dreg:$0xb] =	wrdreg s13;
	s11 =	sshrl.u32 s11, $0x3;
	s23 =	sadd.s32 s4, s21  }
0x14: {  	s14 =	sshrl.u32 s25, $0x3;
	s17 =	sadd.s32 s4, s18;
	[dreg:$0xc] =	wrdreg s23  }
0x15: {  	s16 =	sadd.s32 s6, s18;
	s0 =	sadd.s32 s0, s11;
	[dreg:$0x8] =	wrdreg s17  }
0x16: {  	s25 =	sadd.s32 s6, s21;
	s23 =	sshrl.u32 s15, $0x3;
	[dreg:$0xa] =	wrdreg s16  }
0x17: {  	s14 =	sadd.s32 s5, s14;
	s16 =	sadd.s32 s9, s20;
	[dreg:$0xe] =	wrdreg s25  }
0x18: {  	s0 =	sadd.s32 $0x30C00, s0;
	[dreg:$0x6] =	wrdreg s14;
	s14 =	sshrl.u32 s26, $0x3  }
.Ltmp0:
0x19: {  	s24 =	sshrl.u32 s16, $0x3;
	s26 =	sshrl.u32 s22, $0x2;
	(pc) =	sbr.rel .LBB2_1-.Ltmp0, $4  }
0x1a: {  	[dreg:$0xf] =	wrdreg s0;
	s0 =	sadd.s32 $0x186000, s2;
	s22 =	smax.u32 s12, $0x1  }
0x1b: {  	s14 =	sadd.s32 s5, s14;
	s11 =	sadd.s32 s5, s24;
	s25 =	sshrl.u32 @!p0 s0, $0x3  }
0x1c: {  	s0 =	simm.s32 $0x2;
	[dreg:$0xd] =	wrdreg s11;
	s11 =	sadd.s32 s26, s2  }
0x1d: {  	[dreg:$0x9] =	wrdreg s14;
	s26 =	simm.s32 $0x4;
	s24 =	sshrl.u32 s11, $0x3  }
.LBB2_9:
0x1e: {  	_ =	swait.ge [sflag:s30], $0x1000  }
0x1f: {  	[sflag:s30] =	ssyncset.done $0x0  }
0x20: {  	[sflag:s30] =	ssyncadd.s32 $0xFFFFF000  }
0x21: {  	_ =	swait.ge [sflag:s30], $0x1000  }
0x22: {  	[sflag:s30] =	ssyncset.done $0x0  }
0x23: {  	[sflag:s30] =	ssyncadd.s32 $0xFFFFF000  }
0x24: {  	[bflag:$0x0] =	sbarrier.arrive $0xFFFF  }
0x25: {  	s11 =	rddreg [dreg:$0xb]  }
0x26: {  	[hbm:s11], [sflag:s10] =	dma.local [spmem:s24], $0x30C0  }
0x27: {  	_ =	swait.ge [sflag:s26], $0x30C0  }
0x28: {  	s7 =	sadd.s32 $0x1, s7;
	[sflag:s26] =	ssyncset.done $0x0  }
0x29: {  	p1 =	sne.s32 s7, s22;
	s11 =	rddreg [dreg:$0xf];
	[sflag:s26] =	ssyncadd.s32 $0xFFFFCF40  }
0x2a: {  	[hbm:s11], [sflag:s10] =	dma.local @!p0 [spmem:s25], $0x140  }
.Ltmp1:
0x2b: {  	_ = 	snop;
	(pc) =	sbr.rel @!p1 .LBB2_10-.Ltmp1, $4  }
0x2c: {  	s11 =	simm.s32 @!p0 $0x4  }
0x2d: {  	_ =	swait.ge @!p0 [sflag:s11], $0x140  }
0x2e: {  	[sflag:s11] =	ssyncset.done @!p0 $0x0  }
0x2f: {  	[sflag:s11] =	ssyncadd.s32 @!p0 $0xFFFFFEC0  }
.LBB2_1:
0x30: {  	s11 =	rddreg [dreg:$0x4]  }
0x31: {  	[spmem:s23], [sflag:s10] =	dma.local [hbm:s11], $0x3100  }
0x32: {  	_ =	swait.ge [sflag:s26], $0x3100  }
0x33: {  	[sflag:s26] =	ssyncset.done $0x0  }
0x34: {  	[sflag:s26] =	ssyncadd.s32 $0xFFFFCF00  }
0x35: {  	[bflag:$0x0] =	sbarrier.arrive $0xFFFF  }
0x36: {  	s18 =	rddreg [dreg:$0x5]  }
0x37: {  	[tilespmem:s28], [sflag:$0x4] =	stream.linear.gather [hbm4b:s18+s3], $0x200, $0x38;
	[tilespmem:$0x1FA00] =	vst v63  }
0x38: {  	_ =	swait.ge [sflag:s26], $0x200  }
0x39: {  	[sflag:s26] =	ssyncset.done $0x0  }
0x3a: {  	s12 =	simm.s32 $0x18E00;
	s19 =	rddreg [dreg:$0x6];
	[sflag:s26] =	ssyncadd.s32 $0xFFFFFE00  }
0x3b: {  	[tilespmem:s12], [sflag:$0x4] =	stream.linear.gather [hbm4b:s19+s3], $0x200, $0x38;
	[tilespmem:$0x1FA00] =	vst v63  }
0x3c: {  	_ =	swait.ge [sflag:s26], $0x200  }
0x3d: {  	[sflag:s26] =	ssyncset.done $0x0  }
0x3e: {  	s21 =	simm.s32 $0x19400;
	s20 =	rddreg [dreg:$0x7];
	[sflag:s26] =	ssyncadd.s32 $0xFFFFFE00  }
0x3f: {  	[tilespmem:s21], [sflag:$0x4] =	stream.linear.gather [hbm4b:s20+s3], $0x200, $0x38;
	[tilespmem:$0x1FA00] =	vst v63  }
0x40: {  	_ =	swait.ge [sflag:s26], $0x200  }
0x41: {  	[sflag:s26] =	ssyncset.done $0x0  }
0x42: {  	s13 =	simm.s32 $0x18A00;
	s12 =	rddreg [dreg:$0x8];
	[sflag:s26] =	ssyncadd.s32 $0xFFFFFE00  }
0x43: {  	[tilespmem:s13], [sflag:$0x4] =	stream.linear.gather [hbm4b:s12+s3], $0x200, $0x38;
	[tilespmem:$0x1FA00] =	vst v63  }
0x44: {  	_ =	swait.ge [sflag:s26], $0x200  }
0x45: {  	[sflag:s26] =	ssyncset.done $0x0  }
0x46: {  	s15 =	simm.s32 $0x19000;
	s14 =	rddreg [dreg:$0x9];
	[sflag:s26] =	ssyncadd.s32 $0xFFFFFE00  }
0x47: {  	[tilespmem:s15], [sflag:$0x4] =	stream.linear.gather [hbm4b:s14+s3], $0x200, $0x38;
	[tilespmem:$0x1FA00] =	vst v63  }
0x48: {  	_ =	swait.ge [sflag:s26], $0x200  }
0x49: {  	[sflag:s26] =	ssyncset.done $0x0  }
0x4a: {  	s17 =	simm.s32 $0x19600;
	s16 =	rddreg [dreg:$0xa];
	[sflag:s26] =	ssyncadd.s32 $0xFFFFFE00  }
0x4b: {  	[tilespmem:s17], [sflag:$0x4] =	stream.linear.gather [hbm4b:s16+s3], $0x200, $0x38;
	[tilespmem:$0x1FA00] =	vst v63  }
0x4c: {  	_ =	swait.ge [sflag:s26], $0x200  }
0x4d: {  	[sflag:s26] =	ssyncset.done $0x0  }
0x4e: {  	s19 =	simm.s32 $0x18C00;
	s18 =	rddreg [dreg:$0xc];
	[sflag:s26] =	ssyncadd.s32 $0xFFFFFE00  }
0x4f: {  	[tilespmem:s19], [sflag:$0x1] =	stream.linear.gather [hbm4b:s18+s3], $0x200, $0x38;
	[tilespmem:$0x1FA00] =	vst v63  }
0x50: {  	s21 =	simm.s32 $0x19200;
	s20 =	rddreg [dreg:$0xd]  }
0x51: {  	[tilespmem:s21], [sflag:$0x1] =	stream.linear.gather [hbm4b:s20+s3], $0x200, $0x38;
	[tilespmem:$0x1FA00] =	vst v63  }
0x52: {  	s14 =	simm.s32 $0x19800;
	s13 =	rddreg [dreg:$0xe]  }
0x53: {  	[tilespmem:s14], [sflag:$0x1] =	stream.linear.gather [hbm4b:s13+s3], $0x200, $0x38;
	[tilespmem:$0x1FA00] =	vst v63  }
0x54: {  	s11 =	simm.s32 $0x0;
	s12 =	simm.s32 $0x0;
	s15 =	simm.s32 $0x19A00  }
0x55: {  	[tilespmem:s15], [sflag:$0x2] =	stream.indirect.gather [hbm4b:s1+s29], $0x20, s28, s29, $0xb8;
	[tilespmem:$0x1FA00] =	vst v63  }
0x56: {  	s16 =	simm.s32 $0x18840;
	s17 =	simm.s32 $0x1A200;
	s18 =	simm.s32 $0x18880  }
0x57: {  	[tilespmem:s17], [sflag:$0x2] =	stream.indirect.gather [hbm4b:s1+s29], $0x20, s16, s29, $0xb8;
	[tilespmem:$0x1FA00] =	vst v63  }
0x58: {  	s19 =	simm.s32 $0x1AA00;
	s20 =	simm.s32 $0x188C0;
	s21 =	simm.s32 $0x1B200  }
0x59: {  	[tilespmem:s19], [sflag:$0x2] =	stream.indirect.gather [hbm4b:s1+s29], $0x20, s18, s29, $0xb8;
	[tilespmem:$0x1FA00] =	vst v63  }
0x5a: {  	s13 =	simm.s32 $0x0;
	s14 =	simm.s32 $0x0;
	s15 =	simm.s32 $0x0  }
0x5b: {  	[tilespmem:s21], [sflag:$0x2] =	stream.indirect.gather [hbm4b:s1+s29], $0x20, s20, s29, $0xb8;
	[tilespmem:$0x1FA00] =	vst v63  }
.LBB2_2:
0x5c: {  	p1 =	seq.s32 s15, $0x0;
	s16 =	sand.u32 $0x7, s15  }
0x5d: {  	p3 =	sne.s32 @!p1 s16, $0x0  }
0x5e: {  	p1 =	por p1, p3  }
0x5f: {  	p3 =	sgt.u32 @!p1 s15, $0x307  }
0x60: {  	p1 =	por p1, p3  }
.Ltmp2:
0x61: {  	p2 =	slt.u32 s15, $0x2;
	(pc) =	sbr.rel @p1 .LBB2_4-.Ltmp2, $4  }
0x62: {  	s16 =	simm.s32 @!p2 $0x3  }
0x63: {  	_ =	swait.ge @!p2 [sflag:s16], $0x1000  }
0x64: {  	[sflag:s16] =	ssyncset.done @!p2 $0x0  }
0x65: {  	[sflag:s16] =	ssyncadd.s32 @!p2 $0xFFFFF000  }
0x66: {  	s16 =	sshrl.u32 s15, $0x3;
	p1 =	sgt.u32 s15, $0x2FF  }
0x67: {  	_ =	swait.ge [sflag:s31], $0x200;
	s16 =	sadd.s32 @!p1 $0x2, s16  }
0x68: {  	[sflag:s31] =	ssyncset.done $0x0;
	s17 =	smul.u32 @!p1 $0xAB, s16  }
0x69: {  	[sflag:s31] =	ssyncadd.s32 $0xFFFFFE00  }
0x6a: {  	_ =	swait.ge [sflag:s31], $0x200;
	s17 =	sshrl.u32 @!p1 s17, $0x9  }
0x6b: {  	[sflag:s31] =	ssyncset.done $0x0;
	s17 =	sand.u32 @!p1 $0x7F, s17  }
0x6c: {  	[sflag:s31] =	ssyncadd.s32 $0xFFFFFE00;
	s17 =	smul.u32 @!p1 $0x3, s17  }
0x6d: {  	s21 =	simm.s32 @!p1 $0x0;
	_ =	swait.ge [sflag:s31], $0x200  }
0x6e: {  	[sflag:s31] =	ssyncset.done $0x0;
	s17 =	ssub.s32 @!p1 s16, s17;
	s16 =	sshll.u32 @!p1 s16, $0x9  }
0x6f: {  	[sflag:s31] =	ssyncadd.s32 $0xFFFFFE00;
	s17 =	sand.u32 @!p1 $0xFF, s17;
	s16 =	sadd.s32 @!p1 s8, s16  }
0x70: {  	s17 =	sshll.u32 @!p1 s17, $0x9;
	s18 =	sshrl.u32 @!p1 s16, $0x3;
	s16 =	sadd.s32 @!p1 s9, s16  }
0x71: {  	s19 =	sor.u32 @!p1 $0x18800, s17;
	s20 =	sadd.s32 @!p1 s4, s18;
	s16 =	sshrl.u32 @!p1 s16, $0x3  }
0x72: {  	[tilespmem:s19], [sflag:$0x1] =	stream.linear.gather @!p1 [hbm4b:s20+s21], $0x200, $0x38;
	[tilespmem:$0x1FA00] =	vst v63  }
0x73: {  	s19 =	sadd.s32 @!p1 $0x18E00, s17;
	s16 =	sadd.s32 @!p1 s5, s16  }
0x74: {  	[tilespmem:s19], [sflag:$0x1] =	stream.linear.gather @!p1 [hbm4b:s16+s21], $0x200, $0x38;
	[tilespmem:$0x1FA00] =	vst v63  }
0x75: {  	s16 =	sadd.s32 @!p1 $0x19400, s17;
	s17 =	sadd.s32 @!p1 s6, s18  }
0x76: {  	[tilespmem:s16], [sflag:$0x1] =	stream.linear.gather @!p1 [hbm4b:s17+s21], $0x200, $0x38;
	[tilespmem:$0x1FA00] =	vst v63  }
.LBB2_5:
0x77: {  	s16 =	sadd.s32 $0x4, s15  }
0x78: {  	s17 =	sand.u32 $0xFFFF, s16  }
0x79: {  	s17 =	smul.u32 $0xAAAB, s17;
	_ =	sdelay $0x1  }
0x7a: {  	s18 =	sshrl.u32 s17, $0x14  }
0x7b: {  	s17 =	sshrl.u32 s17, $0x11;
	s18 =	smul.u32 $0x18, s18  }
0x7c: {  	s17 =	sand.u32 $0x6, s17  }
0x7d: {  	s18 =	ssub.s32 s16, s18;
	s16 =	sadd.s32 s17, s16  }
0x7e: {  	s16 =	sshll.u32 s16, $0xB;
	s21 =	sshll.u32 s18, $0x6  }
0x7f: {  	s16 =	sand.u32 $0x3800, s16;
	s17 =	sand.u32 $0x37C0, s21  }
0x80: {  	s16 =	sadd.s32 $0x19A00, s16;
	s17 =	sor.u32 $0x18800, s17  }
0x81: {  	[tilespmem:s16], [sflag:$0x2] =	stream.indirect.gather [hbm4b:s1+s29], $0x20, s17, s29, $0xb8;
	[tilespmem:$0x1FA00] =	vst v63  }
.LBB2_6:
0x82: {  	s16 =	sand.u32 $0xFFFF, s13  }
0x83: {  	s16 =	smul.u32 $0xAAAB, s16;
	_ =	sdelay $0x1  }
0x84: {  	s17 =	sshrl.u32 s16, $0x14  }
0x85: {  	s17 =	smul.u32 $0x1800, s17  }
0x86: {  	s18 =	sshrl.u32 s16, $0x3  }
0x87: {  	s16 =	sshrl.u32 s16, $0x12;
	s18 =	sand.u32 $0xC000, s18;
	s17 =	ssub.s32 s14, s17  }
0x88: {  	s19 =	smul.u32 $0x3000, s16;
	s18 =	sadd.s32 s18, s12;
	s17 =	sand.u32 $0xFFFC, s17  }
0x89: {  	s20 =	sand.u32 $0xFFFC, s18;
	s18 =	smul.u32 $0xAAAB, s15;
	s17 =	sshrl.u32 s17, $0x2  }
0x8a: {  	_ =	swait.ge [sflag:s0], $0x800;
	s19 =	ssub.s32 s11, s19;
	s21 =	sadd.s32 $0x19400, s17  }
0x8b: {  	s17 =	sshrl.u32 s20, $0x2;
	s20 =	sshrl.u32 s18, $0x14;
	s18 =	sshrl.u32 s18, $0x11  }
0x8c: {  	s16 =	sadd.s32 $0x1CC00, s17;
	s17 =	sand.u32 $0xFFFF, s19;
	s19 =	smul.u32 $0x18, s20  }
0x8d: {  	[sflag:s0] =	ssyncset.done $0x0;
	s18 =	sadd.s32 s18, s15;
	v0 =	vmov s21  }
0x8e: {  	[sflag:s0] =	ssyncadd.s32 $0xFFFFF800;
	s18 =	sshll.u32 s18, $0xC;
	s19 =	ssub.s32 s15, s19  }
0x8f: {  	s20 =	simm.s32 $0x0;
	s18 =	sand.u32 $0x3000, s18;
	s19 =	sshll.u32 s19, $0x8  }
0x90: {  	s17 =	sadd.s32 $0x19B00, s17;
	s18 =	sor.u32 $0x1CA00, s18;
	s19 =	sand.u32 $0xFF00, s19  }
.LBB2_7:
0x91: {  	s21 =	sshra.s32 s20, $0x2  }
0x92: {  	v1 =	vld.idx.msk [tilespmem:v0+s21+$0x0 ss:$0x1], $0xffff  }
0x93: {  	v2 =	vld [tilespmem:s17+$0xFFFFFF00];
	_ =	sdelay $0x3  }
0x94: {  	v3 =	vbroadcast v1, $0x0  }
0x95: {  	v4 =	vshll.u32 v2, $0x10  }
0x96: {  	v2 =	vand.u32 $0xFFFF0000, v2;
	v4 =	vmul.f32 v4, v3  }
0x97: {  	v2 =	vmul.f32 v2, v3  }
0x98: {  	[tilespmem:s16+$0xFFFFFE00] =	vst v4  }
0x99: {  	[tilespmem:s16+$0xFFFFFE10] =	vst v2  }
0x9a: {  	v2 =	vld [tilespmem:s17+$0xFFFFFF10];
	_ =	sdelay $0x4  }
0x9b: {  	v35 =	vshll.u32 v2, $0x10  }
0x9c: {  	v2 =	vand.u32 $0xFFFF0000, v2;
	v4 =	vmul.f32 v35, v3  }
0x9d: {  	v2 =	vmul.f32 v2, v3  }
0x9e: {  	[tilespmem:s16+$0xFFFFFE20] =	vst v4  }
0x9f: {  	[tilespmem:s16+$0xFFFFFE30] =	vst v2  }
0xa0: {  	v2 =	vld [tilespmem:s17+$0xFFFFFF20];
	_ =	sdelay $0x3  }
0xa1: {  	v3 =	vbroadcast v1, $0x1  }
0xa2: {  	v36 =	vshll.u32 v2, $0x10  }
0xa3: {  	v2 =	vand.u32 $0xFFFF0000, v2;
	v4 =	vmul.f32 v36, v3  }
0xa4: {  	v2 =	vmul.f32 v2, v3  }
0xa5: {  	[tilespmem:s16+$0xFFFFFE40] =	vst v4  }
0xa6: {  	[tilespmem:s16+$0xFFFFFE50] =	vst v2  }
0xa7: {  	v2 =	vld [tilespmem:s17+$0xFFFFFF30];
	_ =	sdelay $0x4  }
0xa8: {  	v37 =	vshll.u32 v2, $0x10  }
0xa9: {  	v2 =	vand.u32 $0xFFFF0000, v2;
	v4 =	vmul.f32 v37, v3  }
0xaa: {  	v2 =	vmul.f32 v2, v3  }
0xab: {  	[tilespmem:s16+$0xFFFFFE60] =	vst v4  }
0xac: {  	[tilespmem:s16+$0xFFFFFE70] =	vst v2  }
0xad: {  	v2 =	vld [tilespmem:s17+$0xFFFFFF40];
	_ =	sdelay $0x3  }
0xae: {  	v3 =	vbroadcast v1, $0x2  }
0xaf: {  	v38 =	vshll.u32 v2, $0x10  }
0xb0: {  	v2 =	vand.u32 $0xFFFF0000, v2;
	v4 =	vmul.f32 v38, v3  }
0xb1: {  	v2 =	vmul.f32 v2, v3  }
0xb2: {  	[tilespmem:s16+$0xFFFFFE80] =	vst v4  }
0xb3: {  	[tilespmem:s16+$0xFFFFFE90] =	vst v2  }
0xb4: {  	v2 =	vld [tilespmem:s17+$0xFFFFFF50];
	_ =	sdelay $0x4  }
0xb5: {  	v39 =	vshll.u32 v2, $0x10  }
0xb6: {  	v2 =	vand.u32 $0xFFFF0000, v2;
	v4 =	vmul.f32 v39, v3  }
0xb7: {  	v2 =	vmul.f32 v2, v3  }
0xb8: {  	[tilespmem:s16+$0xFFFFFEA0] =	vst v4  }
0xb9: {  	[tilespmem:s16+$0xFFFFFEB0] =	vst v2  }
0xba: {  	v2 =	vld [tilespmem:s17+$0xFFFFFF60];
	_ =	sdelay $0x3  }
0xbb: {  	v3 =	vbroadcast v1, $0x3  }
0xbc: {  	v40 =	vshll.u32 v2, $0x10  }
0xbd: {  	v2 =	vand.u32 $0xFFFF0000, v2;
	v4 =	vmul.f32 v40, v3  }
0xbe: {  	v2 =	vmul.f32 v2, v3  }
0xbf: {  	[tilespmem:s16+$0xFFFFFEC0] =	vst v4  }
0xc0: {  	[tilespmem:s16+$0xFFFFFED0] =	vst v2  }
0xc1: {  	v2 =	vld [tilespmem:s17+$0xFFFFFF70];
	_ =	sdelay $0x4  }
0xc2: {  	v41 =	vshll.u32 v2, $0x10  }
0xc3: {  	v2 =	vand.u32 $0xFFFF0000, v2;
	v4 =	vmul.f32 v41, v3  }
0xc4: {  	v2 =	vmul.f32 v2, v3  }
0xc5: {  	[tilespmem:s16+$0xFFFFFEE0] =	vst v4  }
0xc6: {  	[tilespmem:s16+$0xFFFFFEF0] =	vst v2  }
0xc7: {  	v2 =	vld [tilespmem:s17+$0xFFFFFF80];
	_ =	sdelay $0x3  }
0xc8: {  	v3 =	vbroadcast v1, $0x4  }
0xc9: {  	v42 =	vshll.u32 v2, $0x10  }
0xca: {  	v2 =	vand.u32 $0xFFFF0000, v2;
	v4 =	vmul.f32 v42, v3  }
0xcb: {  	v2 =	vmul.f32 v2, v3  }
0xcc: {  	[tilespmem:s16+$0xFFFFFF00] =	vst v4  }
0xcd: {  	[tilespmem:s16+$0xFFFFFF10] =	vst v2  }
0xce: {  	v2 =	vld [tilespmem:s17+$0xFFFFFF90];
	_ =	sdelay $0x4  }
0xcf: {  	v43 =	vshll.u32 v2, $0x10  }
0xd0: {  	v2 =	vand.u32 $0xFFFF0000, v2;
	v4 =	vmul.f32 v43, v3  }
0xd1: {  	v2 =	vmul.f32 v2, v3  }
0xd2: {  	[tilespmem:s16+$0xFFFFFF20] =	vst v4  }
0xd3: {  	[tilespmem:s16+$0xFFFFFF30] =	vst v2  }
0xd4: {  	v2 =	vld [tilespmem:s17+$0xFFFFFFA0];
	_ =	sdelay $0x3  }
0xd5: {  	v3 =	vbroadcast v1, $0x5  }
0xd6: {  	v44 =	vshll.u32 v2, $0x10  }
0xd7: {  	v2 =	vand.u32 $0xFFFF0000, v2;
	v4 =	vmul.f32 v44, v3  }
0xd8: {  	v2 =	vmul.f32 v2, v3  }
0xd9: {  	[tilespmem:s16+$0xFFFFFF40] =	vst v4  }
0xda: {  	[tilespmem:s16+$0xFFFFFF50] =	vst v2  }
0xdb: {  	v2 =	vld [tilespmem:s17+$0xFFFFFFB0];
	_ =	sdelay $0x4  }
0xdc: {  	v45 =	vshll.u32 v2, $0x10  }
0xdd: {  	v2 =	vand.u32 $0xFFFF0000, v2;
	v4 =	vmul.f32 v45, v3  }
0xde: {  	v2 =	vmul.f32 v2, v3  }
0xdf: {  	[tilespmem:s16+$0xFFFFFF60] =	vst v4  }
0xe0: {  	[tilespmem:s16+$0xFFFFFF70] =	vst v2  }
0xe1: {  	v2 =	vld [tilespmem:s17+$0xFFFFFFC0];
	_ =	sdelay $0x3  }
0xe2: {  	v3 =	vbroadcast v1, $0x6  }
0xe3: {  	v46 =	vshll.u32 v2, $0x10  }
0xe4: {  	v2 =	vand.u32 $0xFFFF0000, v2;
	v4 =	vmul.f32 v46, v3  }
0xe5: {  	v2 =	vmul.f32 v2, v3  }
0xe6: {  	[tilespmem:s16+$0xFFFFFF80] =	vst v4  }
0xe7: {  	[tilespmem:s16+$0xFFFFFF90] =	vst v2  }
0xe8: {  	v2 =	vld [tilespmem:s17+$0xFFFFFFD0];
	_ =	sdelay $0x4  }
0xe9: {  	v47 =	vshll.u32 v2, $0x10  }
0xea: {  	v2 =	vand.u32 $0xFFFF0000, v2;
	v4 =	vmul.f32 v47, v3  }
0xeb: {  	v2 =	vmul.f32 v2, v3  }
0xec: {  	[tilespmem:s16+$0xFFFFFFA0] =	vst v4  }
0xed: {  	[tilespmem:s16+$0xFFFFFFB0] =	vst v2  }
0xee: {  	v2 =	vld [tilespmem:s17+$0xFFFFFFE0];
	_ =	sdelay $0x3  }
0xef: {  	v3 =	vbroadcast v1, $0x7  }
0xf0: {  	v48 =	vshll.u32 v2, $0x10  }
0xf1: {  	v2 =	vand.u32 $0xFFFF0000, v2;
	v4 =	vmul.f32 v48, v3  }
0xf2: {  	v2 =	vmul.f32 v2, v3  }
0xf3: {  	[tilespmem:s16+$0xFFFFFFC0] =	vst v4  }
0xf4: {  	[tilespmem:s16+$0xFFFFFFD0] =	vst v2  }
0xf5: {  	v2 =	vld [tilespmem:s17+$0xFFFFFFF0];
	_ =	sdelay $0x4  }
0xf6: {  	v49 =	vshll.u32 v2, $0x10  }
0xf7: {  	v2 =	vand.u32 $0xFFFF0000, v2;
	v4 =	vmul.f32 v49, v3  }
0xf8: {  	v2 =	vmul.f32 v2, v3  }
0xf9: {  	[tilespmem:s16+$0xFFFFFFE0] =	vst v4  }
0xfa: {  	[tilespmem:s16+$0xFFFFFFF0] =	vst v2  }
0xfb: {  	v2 =	vld [tilespmem:s17+$0x0];
	_ =	sdelay $0x3  }
0xfc: {  	v3 =	vbroadcast v1, $0x8  }
0xfd: {  	v50 =	vshll.u32 v2, $0x10  }
0xfe: {  	v2 =	vand.u32 $0xFFFF0000, v2;
	v4 =	vmul.f32 v50, v3  }
0xff: {  	v2 =	vmul.f32 v2, v3  }
0x100: {  	[tilespmem:s16+$0x0] =	vst v4  }
0x101: {  	[tilespmem:s16+$0x10] =	vst v2  }
0x102: {  	v2 =	vld [tilespmem:s17+$0x10];
	_ =	sdelay $0x4  }
0x103: {  	v51 =	vshll.u32 v2, $0x10  }
0x104: {  	v2 =	vand.u32 $0xFFFF0000, v2;
	v4 =	vmul.f32 v51, v3  }
0x105: {  	v2 =	vmul.f32 v2, v3  }
0x106: {  	[tilespmem:s16+$0x20] =	vst v4  }
0x107: {  	[tilespmem:s16+$0x30] =	vst v2  }
0x108: {  	v2 =	vld [tilespmem:s17+$0x20];
	_ =	sdelay $0x3  }
0x109: {  	v3 =	vbroadcast v1, $0x9  }
0x10a: {  	v52 =	vshll.u32 v2, $0x10  }
0x10b: {  	v2 =	vand.u32 $0xFFFF0000, v2;
	v4 =	vmul.f32 v52, v3  }
0x10c: {  	v2 =	vmul.f32 v2, v3  }
0x10d: {  	[tilespmem:s16+$0x40] =	vst v4  }
0x10e: {  	[tilespmem:s16+$0x50] =	vst v2  }
0x10f: {  	v2 =	vld [tilespmem:s17+$0x30];
	_ =	sdelay $0x4  }
0x110: {  	v53 =	vshll.u32 v2, $0x10  }
0x111: {  	v2 =	vand.u32 $0xFFFF0000, v2;
	v4 =	vmul.f32 v53, v3  }
0x112: {  	v2 =	vmul.f32 v2, v3  }
0x113: {  	[tilespmem:s16+$0x60] =	vst v4  }
0x114: {  	[tilespmem:s16+$0x70] =	vst v2  }
0x115: {  	v2 =	vld [tilespmem:s17+$0x40];
	_ =	sdelay $0x3  }
0x116: {  	v3 =	vbroadcast v1, $0xA  }
0x117: {  	v54 =	vshll.u32 v2, $0x10  }
0x118: {  	v2 =	vand.u32 $0xFFFF0000, v2;
	v4 =	vmul.f32 v54, v3  }
0x119: {  	v2 =	vmul.f32 v2, v3  }
0x11a: {  	[tilespmem:s16+$0x80] =	vst v4  }
0x11b: {  	[tilespmem:s16+$0x90] =	vst v2  }
0x11c: {  	v2 =	vld [tilespmem:s17+$0x50];
	_ =	sdelay $0x4  }
0x11d: {  	v55 =	vshll.u32 v2, $0x10  }
0x11e: {  	v2 =	vand.u32 $0xFFFF0000, v2;
	v4 =	vmul.f32 v55, v3  }
0x11f: {  	v2 =	vmul.f32 v2, v3  }
0x120: {  	[tilespmem:s16+$0xA0] =	vst v4  }
0x121: {  	[tilespmem:s16+$0xB0] =	vst v2  }
0x122: {  	v2 =	vld [tilespmem:s17+$0x60];
	_ =	sdelay $0x3  }
0x123: {  	v3 =	vbroadcast v1, $0xB  }
0x124: {  	v56 =	vshll.u32 v2, $0x10  }
0x125: {  	v2 =	vand.u32 $0xFFFF0000, v2;
	v4 =	vmul.f32 v56, v3  }
0x126: {  	v2 =	vmul.f32 v2, v3  }
0x127: {  	[tilespmem:s16+$0xC0] =	vst v4  }
0x128: {  	[tilespmem:s16+$0xD0] =	vst v2  }
0x129: {  	v2 =	vld [tilespmem:s17+$0x70];
	_ =	sdelay $0x4  }
0x12a: {  	v57 =	vshll.u32 v2, $0x10  }
0x12b: {  	v2 =	vand.u32 $0xFFFF0000, v2;
	v4 =	vmul.f32 v57, v3  }
0x12c: {  	v2 =	vmul.f32 v2, v3  }
0x12d: {  	[tilespmem:s16+$0xE0] =	vst v4  }
0x12e: {  	[tilespmem:s16+$0xF0] =	vst v2  }
0x12f: {  	v2 =	vld [tilespmem:s17+$0x80];
	_ =	sdelay $0x3  }
0x130: {  	v3 =	vbroadcast v1, $0xC  }
0x131: {  	v58 =	vshll.u32 v2, $0x10  }
0x132: {  	v2 =	vand.u32 $0xFFFF0000, v2;
	v4 =	vmul.f32 v58, v3  }
0x133: {  	v2 =	vmul.f32 v2, v3  }
0x134: {  	[tilespmem:s16+$0x100] =	vst v4  }
0x135: {  	[tilespmem:s16+$0x110] =	vst v2  }
0x136: {  	v2 =	vld [tilespmem:s17+$0x90];
	_ =	sdelay $0x4  }
0x137: {  	v59 =	vshll.u32 v2, $0x10  }
0x138: {  	v2 =	vand.u32 $0xFFFF0000, v2;
	v4 =	vmul.f32 v59, v3  }
0x139: {  	v2 =	vmul.f32 v2, v3  }
0x13a: {  	[tilespmem:s16+$0x120] =	vst v4  }
0x13b: {  	[tilespmem:s16+$0x130] =	vst v2  }
0x13c: {  	v2 =	vld [tilespmem:s17+$0xA0];
	_ =	sdelay $0x3  }
0x13d: {  	v3 =	vbroadcast v1, $0xD  }
0x13e: {  	v60 =	vshll.u32 v2, $0x10  }
0x13f: {  	v2 =	vand.u32 $0xFFFF0000, v2;
	v4 =	vmul.f32 v60, v3  }
0x140: {  	v2 =	vmul.f32 v2, v3  }
0x141: {  	[tilespmem:s16+$0x140] =	vst v4  }
0x142: {  	[tilespmem:s16+$0x150] =	vst v2  }
0x143: {  	v2 =	vld [tilespmem:s17+$0xB0];
	_ =	sdelay $0x4  }
0x144: {  	v61 =	vshll.u32 v2, $0x10  }
0x145: {  	v2 =	vand.u32 $0xFFFF0000, v2;
	v4 =	vmul.f32 v61, v3  }
0x146: {  	v2 =	vmul.f32 v2, v3  }
0x147: {  	[tilespmem:s16+$0x160] =	vst v4  }
0x148: {  	[tilespmem:s16+$0x170] =	vst v2  }
0x149: {  	v2 =	vld [tilespmem:s17+$0xC0];
	_ =	sdelay $0x3  }
0x14a: {  	v3 =	vbroadcast v1, $0xE  }
0x14b: {  	v62 =	vshll.u32 v2, $0x10  }
0x14c: {  	v2 =	vand.u32 $0xFFFF0000, v2;
	v4 =	vmul.f32 v62, v3  }
0x14d: {  	v2 =	vmul.f32 v2, v3  }
0x14e: {  	[tilespmem:s16+$0x180] =	vst v4  }
0x14f: {  	[tilespmem:s16+$0x190] =	vst v2  }
0x150: {  	v2 =	vld [tilespmem:s17+$0xD0];
	_ =	sdelay $0x4  }
0x151: {  	v63 =	vshll.u32 v2, $0x10  }
0x152: {  	v2 =	vand.u32 $0xFFFF0000, v2;
	v4 =	vmul.f32 v63, v3  }
0x153: {  	v2 =	vmul.f32 v2, v3  }
0x154: {  	[tilespmem:s16+$0x1A0] =	vst v4  }
0x155: {  	[tilespmem:s16+$0x1B0] =	vst v2  }
0x156: {  	v2 =	vld [tilespmem:s17+$0xE0];
	_ =	sdelay $0x3  }
0x157: {  	v1 =	vbroadcast v1, $0xF  }
0x158: {  	v3 =	vshll.u32 v2, $0x10  }
0x159: {  	v2 =	vand.u32 $0xFFFF0000, v2;
	v3 =	vmul.f32 v3, v1  }
0x15a: {  	v2 =	vmul.f32 v2, v1  }
0x15b: {  	[tilespmem:s16+$0x1C0] =	vst v3  }
0x15c: {  	[tilespmem:s16+$0x1D0] =	vst v2  }
0x15d: {  	v2 =	vld [tilespmem:s17+$0xF0];
	_ =	sdelay $0x3  }
0x15e: {  	p1 =	sne.s32 s20, $0xC0  }
.Ltmp3:
0x15f: {  	v3 =	vshll.u32 v2, $0x10;
	(pc) =	sbr.rel @p1 .LBB2_7-.Ltmp3, $4  }
0x160: {  	v2 =	vand.u32 $0xFFFF0000, v2;
	v3 =	vmul.f32 v3, v1  }
0x161: {  	v1 =	vmul.f32 v2, v1  }
0x162: {  	[tilespmem:s16+$0x1E0] =	vst v3  }
0x163: {  	s20 =	sadd.s32 $0x40, s20;
	s17 =	sadd.s32 $0x200, s17;
	[tilespmem:s16+$0x1F0] =	vst v1;
	s16 =	sadd.s32 $0x400, s16  }
0x164: {  	s15 =	sadd.s32 $0x1, s15  }
0x165: {  	p1 =	sne.s32 s15, $0x310  }
.Ltmp4:
0x166: {  	_ = 	snop;
	(pc) =	sbr.rel @p1 .LBB2_2-.Ltmp4, $4  }
.Ltmp5:
0x167: {  	_ = 	snop;
	(pc) =	sbr.rel @!p1 .LBB2_9-.Ltmp5, $4  }
0x168: {  	s16 =	sshrl.u32 s19, $0x2;
	s14 =	sadd.s32 $0x100, s14;
	s13 =	sadd.s32 $0x1, s13  }
0x169: {  	s12 =	sadd.s32 $0x4000, s12;
	s11 =	sadd.s32 $0x800, s11;
	s16 =	sadd.s32 $0x18E00, s16  }
0x16a: {  	[spmem:s2] =	stream.indirect.scatter.add.f32 [tilespmem:s18], [sflag:$0x3], $0x40, s16, s29, $0xb8;
	[tilespmem:$0x1FA00] =	vst v63  }
0x16b: {  	_ = 	snop  }
.LBB2_4:
0x16c: {  	p1 =	sgt.u32 s15, $0x30B  }
.Ltmp6:
0x16d: {  	_ = 	snop;
	(pc) =	sbr.rel @p1 .LBB2_6-.Ltmp6, $4  }
.Ltmp7:
0x16e: {  	_ = 	snop;
	(pc) =	sbr.rel @!p1 .LBB2_5-.Ltmp7, $4  }
0x16f: {  	_ = 	snop  }
0x170: {  	_ = 	snop  }
0x171: {  	_ = 	snop  }
0x172: {  	_ = 	snop  }
.LBB2_10:
0x173: {  	_ =	sfence.sel $0x180000  }
0x174: {  	[bflag:$0x0] =	sbarrier.arrive $0xFFFF  }
0x175: {  	_ =	strace $0x90000047  }
0x176: {  	[bflag:$0x2] =	sbarrier.arrive $0xFFFF  }
0x177: {  	s0 =	rddreg [dreg:$0x3]  }
0x178: {  	s0 =	sadd.s32 @!p0 $0x100000, s0  }
0x179: {  	[sflag:s0] =	ssyncadd.tile.s32 @!p0 $0x1;
	_ =	shalt  }
.Lfunc_end2:
_tile_overlayer_lowered:
.L_overlay_start_2:
0x17a: {  	(tag) =	ssettag $0x2  }
0x17b: {  	s0 =	rddreg [dreg:$0x0];
	s2 =	stileid.u32  }
0x17c: {  	s1 =	rddreg [dreg:$0x1];
	p0 =	sne.s32 s2, $0x0  }
0x17d: {  	s3 =	rddreg [dreg:$0x2];
	[bflag:$0x3] =	sbarrier.arrive $0xFFFF;
	s2 =	simm.s32 @!p0 $0x1C04  }
0x17e: {  	[timem:s3], [sflag:s2] =	dma.local @!p0 [hbm:s0], s1  }
0x17f: {  	s0 =	simm.s32 @!p0 $0x4  }
0x180: {  	_ =	swait.ge @!p0 [sflag:s0], s1  }
0x181: {  	s1 =	ssub.s32 @!p0 $0x0, s1;
	[sflag:s0] =	ssyncset.done @!p0 $0x0  }
0x182: {  	[sflag:s0] =	ssyncadd.s32 @!p0 s1  }
0x183: {  	[bflag:$0x3] =	sbarrier.arrive $0xFFFF  }
0x184: {  	_ =	shalt  }

</sc_bundles>
